<compile_context>
chip_gen: v7x
topology: tpu7x:2x2x1
jax: 0.10.2.dev20260603
libtpu: 0.0.44.dev20260713+nightly
codegen_flags: <defaults>
</compile_context>

<pallas_src>
import jax
import jax.numpy as jnp
from jax import lax
from jax.experimental import pallas as pl
from jax.experimental.pallas import tpu as pltpu
from jax.experimental.pallas import tpu_sc as plsc

D_MODEL = 768
D_FF = 2048
NE = 64
T = 2048
CAP = 80
NSLOT = NE * CAP
EPB = 1
NBUF = NSLOT + EPB * CAP
DUMP = NSLOT
MB = EPB * CAP
GW = 128
SLW = 8
RB = 256
NRB = T // RB


def _router_body(x_ref, wg_ref, slot_ref, w_ref, aux_ref, base_ref, me_ref):
    i = pl.program_id(0)

    @pl.when(i == 0)
    def _init():
        base_ref[...] = jnp.zeros_like(base_ref)
        me_ref[...] = jnp.zeros_like(me_ref)

    x = x_ref[...]
    logits = jnp.dot(x, wg_ref[...], preferred_element_type=jnp.float32)
    m = jnp.max(logits, axis=1, keepdims=True)
    ex = jnp.exp(logits - m)
    s = jnp.sum(ex, axis=1, keepdims=True)
    gates = ex / s
    gmax = jnp.max(gates, axis=1, keepdims=True)
    iota_e = lax.broadcasted_iota(jnp.int32, (RB, NE), 1).astype(jnp.float32)
    eidf = jnp.min(jnp.where(gates == gmax, iota_e, jnp.float32(NE)),
                   axis=1, keepdims=True)
    mask = (iota_e == eidf).astype(jnp.float32)
    r_i = lax.broadcasted_iota(jnp.int32, (RB, RB), 0)
    c_i = lax.broadcasted_iota(jnp.int32, (RB, RB), 1)
    tri = (r_i >= c_i).astype(jnp.float32)
    incl = jnp.dot(tri, mask, preferred_element_type=jnp.float32)
    base = base_ref[0:1, :]
    posf = jnp.sum(mask * (incl - 1.0 + base), axis=1, keepdims=True)
    base_ref[0:1, :] = base + jnp.sum(mask, axis=0, keepdims=True)
    me_ref[0:1, :] = me_ref[0:1, :] + jnp.sum(gates, axis=0, keepdims=True)

    keep = posf < jnp.float32(CAP)
    slotf = jnp.where(keep, eidf * CAP + jnp.minimum(posf, CAP - 1.0),
                      jnp.float32(DUMP))
    w_eff = jnp.where(keep, gmax, 0.0)
    slot_ref[...] = jnp.broadcast_to(slotf, (RB, SLW)).astype(jnp.int32)
    w_ref[...] = jnp.broadcast_to(w_eff, (RB, GW))

    @pl.when(i == NRB - 1)
    def _finish():
        fe = base_ref[0:1, :] * (1.0 / T)
        me = me_ref[0:1, :] * (1.0 / T)
        aux_ref[0, 0] = jnp.float32(NE) * jnp.sum(fe * me)


def _make_router(interpret=False):
    return pl.pallas_call(
        _router_body,
        grid=(NRB,),
        in_specs=[
            pl.BlockSpec((RB, D_MODEL), lambda i: (i, 0)),
            pl.BlockSpec((D_MODEL, NE), lambda i: (0, 0)),
        ],
        out_specs=[
            pl.BlockSpec((RB, SLW), lambda i: (i, 0)),
            pl.BlockSpec((RB, GW), lambda i: (i, 0)),
            pl.BlockSpec(memory_space=pltpu.SMEM),
        ],
        out_shape=[
            jax.ShapeDtypeStruct((T, SLW), jnp.int32),
            jax.ShapeDtypeStruct((T, GW), jnp.float32),
            jax.ShapeDtypeStruct((1, 1), jnp.float32),
        ],
        scratch_shapes=[
            pltpu.VMEM((8, NE), jnp.float32),
            pltpu.VMEM((8, NE), jnp.float32),
        ],
        interpret=interpret,
    )


_NC = 2
_NS = 16
_NW = _NC * _NS
CHUNK = T // _NW


H = CHUNK // 2


def _dispatch_body(x_hbm, slot1d_hbm, w_hbm, buf_hbm, gtab_hbm,
                   wv_a, wv_b, idx_a, idx_b, rows_a, rows_b,
                   sxa, sxb, ssa, ssb, sga, sgb):
    wid = lax.axis_index("s") * _NC + lax.axis_index("c")
    base = wid * CHUNK
    cxa = pltpu.async_copy(x_hbm.at[pl.ds(base, H)], rows_a, sxa)
    cxb = pltpu.async_copy(x_hbm.at[pl.ds(base + H, H)], rows_b, sxb)
    pltpu.sync_copy(slot1d_hbm.at[pl.ds(base, H)], idx_a)
    pltpu.sync_copy(slot1d_hbm.at[pl.ds(base + H, H)], idx_b)
    pltpu.sync_copy(w_hbm.at[pl.ds(base, H)], wv_a)
    pltpu.sync_copy(w_hbm.at[pl.ds(base + H, H)], wv_b)
    cga = pltpu.async_copy(wv_a, gtab_hbm.at[idx_a], sga)
    cgb = pltpu.async_copy(wv_b, gtab_hbm.at[idx_b], sgb)
    cxa.wait()
    ca = pltpu.async_copy(rows_a, buf_hbm.at[idx_a], ssa)
    cxb.wait()
    cb = pltpu.async_copy(rows_b, buf_hbm.at[idx_b], ssb)
    cga.wait()
    cgb.wait()
    ca.wait()
    cb.wait()


def _combine_body(y_hbm, slot1d_hbm, out_hbm, idx_a, idx_b, rows_a, rows_b,
                  sga, sgb, swa, swb):
    wid = lax.axis_index("s") * _NC + lax.axis_index("c")
    base = wid * CHUNK
    pltpu.sync_copy(slot1d_hbm.at[pl.ds(base, H)], idx_a)
    pltpu.sync_copy(slot1d_hbm.at[pl.ds(base + H, H)], idx_b)
    ga = pltpu.async_copy(y_hbm.at[idx_a], rows_a, sga)
    gb = pltpu.async_copy(y_hbm.at[idx_b], rows_b, sgb)
    ga.wait()
    wa = pltpu.async_copy(rows_a, out_hbm.at[pl.ds(base, H)], swa)
    gb.wait()
    wb = pltpu.async_copy(rows_b, out_hbm.at[pl.ds(base + H, H)], swb)
    wa.wait()
    wb.wait()


def _sc_mesh():
    return plsc.VectorSubcoreMesh(core_axis_name="c", subcore_axis_name="s",
                                  num_cores=_NC, num_subcores=_NS)


def _make_dispatch(interpret=False):
    return pl.kernel(
        _dispatch_body,
        out_type=[
            jax.ShapeDtypeStruct((NBUF, D_MODEL), jnp.float32),
            jax.ShapeDtypeStruct((NBUF, GW), jnp.float32),
        ],
        mesh=_sc_mesh(),
        scratch_types=[
            pltpu.VMEM((H, GW), jnp.float32),
            pltpu.VMEM((H, GW), jnp.float32),
            pltpu.VMEM((H,), jnp.int32),
            pltpu.VMEM((H,), jnp.int32),
            pltpu.VMEM((H, D_MODEL), jnp.float32),
            pltpu.VMEM((H, D_MODEL), jnp.float32),
            pltpu.SemaphoreType.DMA,
            pltpu.SemaphoreType.DMA,
            pltpu.SemaphoreType.DMA,
            pltpu.SemaphoreType.DMA,
            pltpu.SemaphoreType.DMA,
            pltpu.SemaphoreType.DMA,
        ],
        interpret=interpret,
    )


def _make_combine(interpret=False):
    return pl.kernel(
        _combine_body,
        out_type=jax.ShapeDtypeStruct((T, D_MODEL), jnp.float32),
        mesh=_sc_mesh(),
        scratch_types=[
            pltpu.VMEM((H,), jnp.int32),
            pltpu.VMEM((H,), jnp.int32),
            pltpu.VMEM((H, D_MODEL), jnp.float32),
            pltpu.VMEM((H, D_MODEL), jnp.float32),
            pltpu.SemaphoreType.DMA,
            pltpu.SemaphoreType.DMA,
            pltpu.SemaphoreType.DMA,
            pltpu.SemaphoreType.DMA,
        ],
        interpret=interpret,
    )


NEB = NE // EPB


def _ffn_body(buf_ref, w1_ref, b1_ref, w2_ref, b2_ref, g_ref, y_ref):
    e = pl.program_id(0)
    xb = jnp.where(e < NEB, buf_ref[...], 0.0)
    for k in range(EPB):
        lo, hi = k * CAP, (k + 1) * CAP
        xk = xb[lo:hi, :]
        h = jnp.dot(xk, w1_ref[k], preferred_element_type=jnp.float32)
        h = jnp.maximum(h + b1_ref[k], 0.0)
        yk = jnp.dot(h, w2_ref[k], preferred_element_type=jnp.float32)
        g2d = g_ref[0, lo:hi, 0:1]
        y_ref[lo:hi, :] = (yk + b2_ref[k]) * g2d


def _make_ffn(interpret=False):
    wmap = lambda e: (jnp.minimum(e, NEB - 1), 0, 0)
    return pl.pallas_call(
        _ffn_body,
        grid=(NBUF // MB,),
        in_specs=[
            pl.BlockSpec((MB, D_MODEL), lambda e: (e, 0)),
            pl.BlockSpec((EPB, D_MODEL, D_FF), wmap),
            pl.BlockSpec((EPB, 1, D_FF), wmap),
            pl.BlockSpec((EPB, D_FF, D_MODEL), wmap),
            pl.BlockSpec((EPB, 1, D_MODEL), wmap),
            pl.BlockSpec((1, MB, GW), lambda e: (e, 0, 0)),
        ],
        out_specs=pl.BlockSpec((MB, D_MODEL), lambda e: (e, 0)),
        out_shape=jax.ShapeDtypeStruct((NBUF, D_MODEL), jnp.float32),
        interpret=interpret,
    )


def _moe(x, Wg, W1, b1, W2, b2, interpret=False):
    x2 = x.reshape(T, D_MODEL)
    slots2, weff2, aux = _make_router(interpret)(x2, Wg)
    slots1d = slots2[:, 0]
    buf, gtab = _make_dispatch(interpret)(x2, slots1d, weff2)
    y = _make_ffn(interpret)(buf, W1, b1.reshape(NE, 1, D_FF),
                             W2, b2.reshape(NE, 1, D_MODEL),
                             gtab.reshape(NBUF // MB, MB, GW))
    out = _make_combine(interpret)(y, slots1d)
    return out.reshape(1, T, D_MODEL), aux.reshape(())


def kernel(x, Wg, W1, b1, W2, b2):
    return _moe(x, Wg, W1, b1, W2, b2)

# --- scband reference (transcript-rebuilt; emitter-appended) ---
"""Pipeline reference for scband-mixture-of-experts-71330816852133 (READ-ONLY COPY).

The authoritative reference and input builder live on the scoring server;
editing this copy changes nothing except your own understanding.
"""

import jax, jax.numpy as jnp
import numpy as np
import math

D_MODEL = 768
D_FF = 2048
NUM_EXPERTS = 64
TOP_K = 1
B = 1
S = 2048
CAP = int(math.ceil(B * S * TOP_K / NUM_EXPERTS * 2.5))  # 80 slots per expert; ~2.5x mean load, drops are astronomically unlikely


def setup_inputs(seed: int = 0) -> dict:
    key = jax.random.key(seed)
    ks = jax.random.split(key, 6)
    x = jax.random.normal(ks[0], (B, S, D_MODEL), dtype=jnp.float32)
    Wg = jax.random.normal(ks[1], (D_MODEL, NUM_EXPERTS), dtype=jnp.float32) * (1.0 / math.sqrt(D_MODEL))
    W1 = jax.random.normal(ks[2], (NUM_EXPERTS, D_MODEL, D_FF), dtype=jnp.float32) * 0.02
    b1 = jnp.zeros((NUM_EXPERTS, D_FF), dtype=jnp.float32)
    W2 = jax.random.normal(ks[3], (NUM_EXPERTS, D_FF, D_MODEL), dtype=jnp.float32) * 0.02
    b2 = jnp.zeros((NUM_EXPERTS, D_MODEL), dtype=jnp.float32)
    return {"x": x, "Wg": Wg, "W1": W1, "b1": b1, "W2": W2, "b2": b2}


def _moe_forward(x, Wg, W1, b1, W2, b2):
    Bx, Sx, D = x.shape
    T = Bx * Sx
    k = TOP_K
    E = NUM_EXPERTS
    x2 = x.reshape(T, D)
    # Router
    logits = x2 @ Wg                                   # [T, E]
    gates = jax.nn.softmax(logits, axis=-1)            # [T, E]
    top_vals, top_idx = jax.lax.top_k(gates, k)        # [T, k]
    # Dispatch bookkeeping (capacity-based, exact when no slot overflows)
    mask = jax.nn.one_hot(top_idx, E, dtype=jnp.float32)   # [T, k, E]
    mask_flat = mask.reshape(T * k, E)                     # token-major
    pos = (jnp.cumsum(mask_flat, axis=0) - 1.0) * mask_flat
    pos_int = pos.sum(axis=-1).astype(jnp.int32)           # [T*k] position within expert buffer
    eid = top_idx.reshape(T * k)                           # [T*k] expert id per (token, slot)
    keep = (pos_int < CAP).astype(jnp.float32)             # [T*k]
    pos_c = jnp.clip(pos_int, 0, CAP - 1)
    # Scatter tokens into per-expert buffers
    xr = jnp.repeat(x2, k, axis=0)                         # [T*k, D]
    buf = jnp.zeros((E, CAP, D), dtype=x.dtype).at[eid, pos_c].add(xr * keep[:, None])
    # Expert FFNs (batched over experts)
    h = jax.nn.relu(jnp.einsum('ecd,edf->ecf', buf, W1) + b1[:, None, :])
    y = jnp.einsum('ecf,efd->ecd', h, W2) + b2[:, None, :]
    # Gather back and combine with gate weights (Switch-style: raw softmax prob)
    w = top_vals.reshape(T * k) * keep
    yt = y[eid, pos_c]                                     # [T*k, D]
    out = (yt * w[:, None]).reshape(T, k, D).sum(axis=1).reshape(Bx, Sx, D)
    # Load-balancing auxiliary loss (Switch)
    me = gates.mean(axis=0)                                # mean router prob per expert
    fe = mask_flat.sum(axis=0) / T                         # fraction of tokens routed per expert
    aux_loss = jnp.float32(E) * jnp.sum(fe * me)
    return out, aux_loss


def reference(x, Wg, W1, b1, W2, b2):
    return _moe_forward(x, Wg, W1, b1, W2, b2)

if __name__ == "__main__":
    import jax
    _d = setup_inputs()
    print(jax.jit(kernel)(*tuple(_d.values())))

</pallas_src>

<mosaic_0001>
#map = affine_map<(d0, d1) -> (0, 0)>
#map1 = affine_map<(d0, d1) -> (0)>
module attributes {stable_mosaic.version = 14 : i64} {
  func.func @_combine_body(%arg0: i32, %arg1: i32, %arg2: memref<5200x768xf32, #tpu.memory_space<hbm>>, %arg3: memref<2048xi32, #tpu.memory_space<hbm>>, %arg4: memref<2048x768xf32, #tpu.memory_space<hbm>>, %arg5: memref<32xi32, #tpu.memory_space<vmem>>, %arg6: memref<32xi32, #tpu.memory_space<vmem>>, %arg7: memref<32x768xf32, #tpu.memory_space<vmem>>, %arg8: memref<32x768xf32, #tpu.memory_space<vmem>>, %arg9: memref<!tpu.dma_semaphore, #tpu.memory_space<semaphore_mem>>, %arg10: memref<!tpu.dma_semaphore, #tpu.memory_space<semaphore_mem>>, %arg11: memref<!tpu.dma_semaphore, #tpu.memory_space<semaphore_mem>>, %arg12: memref<!tpu.dma_semaphore, #tpu.memory_space<semaphore_mem>>) attributes {dimension_semantics = [#tpu.dimension_semantics<core_parallel>, #tpu.dimension_semantics<subcore_parallel>], iteration_bounds = array<i64: 2, 16>, scalar_prefetch = 0 : i64, scratch_operands = 8 : i64, tpu.core_type = #tpu.core_type<sc_vector_subcore>, window_params = [{transform_indices = #map}, {transform_indices = #map1}, {transform_indices = #map}]} {
    %mul3A = arith.constant 2 : i32
    %mul3A_0 = arith.muli %arg1, %mul3A : i32
    %add3A = arith.addi %mul3A_0, %arg0 : i32
    %mul3A_1 = arith.constant 64 : i32
    %mul3A_2 = arith.muli %add3A, %mul3A_1 : i32
    "tpu.region"() ({
      %run_scoped3A = tpu.sem_alloc : memref<!tpu.dma_semaphore, #tpu.memory_space<semaphore_mem>>
      %dma_start3A_33 = tpu.memref_slice %arg3[%mul3A_2] : memref<2048xi32, #tpu.memory_space<hbm>> -> memref<32xi32, #tpu.memory_space<hbm>>
      %dma_start3A_34 = tpu.memref_slice %arg3[%mul3A_2] : memref<2048xi32, #tpu.memory_space<hbm>> -> memref<32xi32, #tpu.memory_space<hbm>>
      tpu.enqueue_dma source(%dma_start3A_34 : memref<32xi32, #tpu.memory_space<hbm>>) target(%arg5 : memref<32xi32, #tpu.memory_space<vmem>>) target_semaphore(%run_scoped3A : memref<!tpu.dma_semaphore, #tpu.memory_space<semaphore_mem>>)
      %dma_wait3A_35 = tpu.memref_slice %arg3[%mul3A_2] : memref<2048xi32, #tpu.memory_space<hbm>> -> memref<32xi32, #tpu.memory_space<hbm>>
      %dma_wait3A_36 = tpu.memref_slice %arg3[%mul3A_2] : memref<2048xi32, #tpu.memory_space<hbm>> -> memref<32xi32, #tpu.memory_space<hbm>>
      tpu.wait_dma2 semaphore(%run_scoped3A : memref<!tpu.dma_semaphore, #tpu.memory_space<semaphore_mem>>) src(%dma_wait3A_36 : memref<32xi32, #tpu.memory_space<hbm>>) dst(%arg5 : memref<32xi32, #tpu.memory_space<vmem>>)
      tpu.yield
    }) : () -> ()
    %add3A_3 = arith.constant 32 : i32
    %add3A_4 = arith.addi %mul3A_2, %add3A_3 : i32
    "tpu.region"() ({
      %run_scoped3A = tpu.sem_alloc : memref<!tpu.dma_semaphore, #tpu.memory_space<semaphore_mem>>
      %dma_start3A_33 = tpu.memref_slice %arg3[%add3A_4] : memref<2048xi32, #tpu.memory_space<hbm>> -> memref<32xi32, #tpu.memory_space<hbm>>
      %dma_start3A_34 = tpu.memref_slice %arg3[%add3A_4] : memref<2048xi32, #tpu.memory_space<hbm>> -> memref<32xi32, #tpu.memory_space<hbm>>
      tpu.enqueue_dma source(%dma_start3A_34 : memref<32xi32, #tpu.memory_space<hbm>>) target(%arg6 : memref<32xi32, #tpu.memory_space<vmem>>) target_semaphore(%run_scoped3A : memref<!tpu.dma_semaphore, #tpu.memory_space<semaphore_mem>>)
      %dma_wait3A_35 = tpu.memref_slice %arg3[%add3A_4] : memref<2048xi32, #tpu.memory_space<hbm>> -> memref<32xi32, #tpu.memory_space<hbm>>
      %dma_wait3A_36 = tpu.memref_slice %arg3[%add3A_4] : memref<2048xi32, #tpu.memory_space<hbm>> -> memref<32xi32, #tpu.memory_space<hbm>>
      tpu.wait_dma2 semaphore(%run_scoped3A : memref<!tpu.dma_semaphore, #tpu.memory_space<semaphore_mem>>) src(%dma_wait3A_36 : memref<32xi32, #tpu.memory_space<hbm>>) dst(%arg6 : memref<32xi32, #tpu.memory_space<vmem>>)
      tpu.yield
    }) : () -> ()
    %dma_start3A = arith.constant 0 : i32
    %dma_start3A_5 = arith.constant 0 : i32
    %dma_start3A_6 = tpu.memref_slice %arg2[%dma_start3A, %dma_start3A_5] : memref<5200x768xf32, #tpu.memory_space<hbm>> -> memref<5200x768xf32, #tpu.memory_space<hbm>>
    tpu.enqueue_indirect_dma source(%dma_start3A_6 : memref<5200x768xf32, #tpu.memory_space<hbm>>) target(%arg7 : memref<32x768xf32, #tpu.memory_space<vmem>>) offsets(%arg5 : memref<32xi32, #tpu.memory_space<vmem>>) semaphore(%arg9 : memref<!tpu.dma_semaphore, #tpu.memory_space<semaphore_mem>>)
    %dma_start3A_7 = arith.constant 0 : i32
    %dma_start3A_8 = arith.constant 0 : i32
    %dma_start3A_9 = tpu.memref_slice %arg2[%dma_start3A_7, %dma_start3A_8] : memref<5200x768xf32, #tpu.memory_space<hbm>> -> memref<5200x768xf32, #tpu.memory_space<hbm>>
    tpu.enqueue_indirect_dma source(%dma_start3A_9 : memref<5200x768xf32, #tpu.memory_space<hbm>>) target(%arg8 : memref<32x768xf32, #tpu.memory_space<vmem>>) offsets(%arg6 : memref<32xi32, #tpu.memory_space<vmem>>) semaphore(%arg10 : memref<!tpu.dma_semaphore, #tpu.memory_space<semaphore_mem>>)
    %dma_wait3A = arith.constant 0 : i32
    %dma_wait3A_10 = arith.constant 0 : i32
    %dma_wait3A_11 = tpu.memref_slice %arg2[%dma_wait3A, %dma_wait3A_10] : memref<5200x768xf32, #tpu.memory_space<hbm>> -> memref<5200x768xf32, #tpu.memory_space<hbm>>
    tpu.wait_indirect_dma semaphore(%arg9 : memref<!tpu.dma_semaphore, #tpu.memory_space<semaphore_mem>>) src(%dma_wait3A_11 : memref<5200x768xf32, #tpu.memory_space<hbm>>) dst(%arg7 : memref<32x768xf32, #tpu.memory_space<vmem>>)
    %dma_start3A_12 = arith.constant 0 : i32
    %dma_start3A_13 = tpu.memref_slice %arg4[%mul3A_2, %dma_start3A_12] : memref<2048x768xf32, #tpu.memory_space<hbm>> -> memref<32x768xf32, #tpu.memory_space<hbm>>
    %dma_start3A_14 = arith.constant 0 : i32
    %dma_start3A_15 = tpu.memref_slice %arg4[%mul3A_2, %dma_start3A_14] : memref<2048x768xf32, #tpu.memory_space<hbm>> -> memref<32x768xf32, #tpu.memory_space<hbm>>
    tpu.enqueue_dma source(%arg7 : memref<32x768xf32, #tpu.memory_space<vmem>>) target(%dma_start3A_15 : memref<32x768xf32, #tpu.memory_space<hbm>>) target_semaphore(%arg11 : memref<!tpu.dma_semaphore, #tpu.memory_space<semaphore_mem>>)
    %dma_wait3A_16 = arith.constant 0 : i32
    %dma_wait3A_17 = arith.constant 0 : i32
    %dma_wait3A_18 = tpu.memref_slice %arg2[%dma_wait3A_16, %dma_wait3A_17] : memref<5200x768xf32, #tpu.memory_space<hbm>> -> memref<5200x768xf32, #tpu.memory_space<hbm>>
    tpu.wait_indirect_dma semaphore(%arg10 : memref<!tpu.dma_semaphore, #tpu.memory_space<semaphore_mem>>) src(%dma_wait3A_18 : memref<5200x768xf32, #tpu.memory_space<hbm>>) dst(%arg8 : memref<32x768xf32, #tpu.memory_space<vmem>>)
    %add3A_19 = arith.constant 32 : i32
    %add3A_20 = arith.addi %mul3A_2, %add3A_19 : i32
    %dma_start3A_21 = arith.constant 0 : i32
    %dma_start3A_22 = tpu.memref_slice %arg4[%add3A_20, %dma_start3A_21] : memref<2048x768xf32, #tpu.memory_space<hbm>> -> memref<32x768xf32, #tpu.memory_space<hbm>>
    %dma_start3A_23 = arith.constant 0 : i32
    %dma_start3A_24 = tpu.memref_slice %arg4[%add3A_20, %dma_start3A_23] : memref<2048x768xf32, #tpu.memory_space<hbm>> -> memref<32x768xf32, #tpu.memory_space<hbm>>
    tpu.enqueue_dma source(%arg8 : memref<32x768xf32, #tpu.memory_space<vmem>>) target(%dma_start3A_24 : memref<32x768xf32, #tpu.memory_space<hbm>>) target_semaphore(%arg12 : memref<!tpu.dma_semaphore, #tpu.memory_space<semaphore_mem>>)
    %dma_wait3A_25 = arith.constant 0 : i32
    %dma_wait3A_26 = tpu.memref_slice %arg4[%mul3A_2, %dma_wait3A_25] : memref<2048x768xf32, #tpu.memory_space<hbm>> -> memref<32x768xf32, #tpu.memory_space<hbm>>
    %dma_wait3A_27 = arith.constant 0 : i32
    %dma_wait3A_28 = tpu.memref_slice %arg4[%mul3A_2, %dma_wait3A_27] : memref<2048x768xf32, #tpu.memory_space<hbm>> -> memref<32x768xf32, #tpu.memory_space<hbm>>
    tpu.wait_dma2 semaphore(%arg11 : memref<!tpu.dma_semaphore, #tpu.memory_space<semaphore_mem>>) src(%arg7 : memref<32x768xf32, #tpu.memory_space<vmem>>) dst(%dma_wait3A_28 : memref<32x768xf32, #tpu.memory_space<hbm>>)
    %dma_wait3A_29 = arith.constant 0 : i32
    %dma_wait3A_30 = tpu.memref_slice %arg4[%add3A_20, %dma_wait3A_29] : memref<2048x768xf32, #tpu.memory_space<hbm>> -> memref<32x768xf32, #tpu.memory_space<hbm>>
    %dma_wait3A_31 = arith.constant 0 : i32
    %dma_wait3A_32 = tpu.memref_slice %arg4[%add3A_20, %dma_wait3A_31] : memref<2048x768xf32, #tpu.memory_space<hbm>> -> memref<32x768xf32, #tpu.memory_space<hbm>>
    tpu.wait_dma2 semaphore(%arg12 : memref<!tpu.dma_semaphore, #tpu.memory_space<semaphore_mem>>) src(%arg8 : memref<32x768xf32, #tpu.memory_space<vmem>>) dst(%dma_wait3A_32 : memref<32x768xf32, #tpu.memory_space<hbm>>)
    return
  }
}

#map = affine_map<(d0, d1) -> (0, 0)>
#map1 = affine_map<(d0, d1) -> (0)>
module attributes {stable_mosaic.version = 14 : i64} {
  func.func @_dispatch_body(%arg0: i32, %arg1: i32, %arg2: memref<2048x768xf32, #tpu.memory_space<hbm>>, %arg3: memref<2048xi32, #tpu.memory_space<hbm>>, %arg4: memref<2048x128xf32, #tpu.memory_space<hbm>>, %arg5: memref<5200x768xf32, #tpu.memory_space<hbm>>, %arg6: memref<5200x128xf32, #tpu.memory_space<hbm>>, %arg7: memref<32x128xf32, #tpu.memory_space<vmem>>, %arg8: memref<32x128xf32, #tpu.memory_space<vmem>>, %arg9: memref<32xi32, #tpu.memory_space<vmem>>, %arg10: memref<32xi32, #tpu.memory_space<vmem>>, %arg11: memref<32x768xf32, #tpu.memory_space<vmem>>, %arg12: memref<32x768xf32, #tpu.memory_space<vmem>>, %arg13: memref<!tpu.dma_semaphore, #tpu.memory_space<semaphore_mem>>, %arg14: memref<!tpu.dma_semaphore, #tpu.memory_space<semaphore_mem>>, %arg15: memref<!tpu.dma_semaphore, #tpu.memory_space<semaphore_mem>>, %arg16: memref<!tpu.dma_semaphore, #tpu.memory_space<semaphore_mem>>, %arg17: memref<!tpu.dma_semaphore, #tpu.memory_space<semaphore_mem>>, %arg18: memref<!tpu.dma_semaphore, #tpu.memory_space<semaphore_mem>>) attributes {dimension_semantics = [#tpu.dimension_semantics<core_parallel>, #tpu.dimension_semantics<subcore_parallel>], iteration_bounds = array<i64: 2, 16>, scalar_prefetch = 0 : i64, scratch_operands = 12 : i64, tpu.core_type = #tpu.core_type<sc_vector_subcore>, window_params = [{transform_indices = #map}, {transform_indices = #map1}, {transform_indices = #map}, {transform_indices = #map}, {transform_indices = #map}]} {
    %mul3A = arith.constant 2 : i32
    %mul3A_0 = arith.muli %arg1, %mul3A : i32
    %add3A = arith.addi %mul3A_0, %arg0 : i32
    %mul3A_1 = arith.constant 64 : i32
    %mul3A_2 = arith.muli %add3A, %mul3A_1 : i32
    %dma_start3A = arith.constant 0 : i32
    %dma_start3A_3 = tpu.memref_slice %arg2[%mul3A_2, %dma_start3A] : memref<2048x768xf32, #tpu.memory_space<hbm>> -> memref<32x768xf32, #tpu.memory_space<hbm>>
    %dma_start3A_4 = arith.constant 0 : i32
    %dma_start3A_5 = tpu.memref_slice %arg2[%mul3A_2, %dma_start3A_4] : memref<2048x768xf32, #tpu.memory_space<hbm>> -> memref<32x768xf32, #tpu.memory_space<hbm>>
    tpu.enqueue_dma source(%dma_start3A_5 : memref<32x768xf32, #tpu.memory_space<hbm>>) target(%arg11 : memref<32x768xf32, #tpu.memory_space<vmem>>) target_semaphore(%arg13 : memref<!tpu.dma_semaphore, #tpu.memory_space<semaphore_mem>>)
    %add3A_6 = arith.constant 32 : i32
    %add3A_7 = arith.addi %mul3A_2, %add3A_6 : i32
    %dma_start3A_8 = arith.constant 0 : i32
    %dma_start3A_9 = tpu.memref_slice %arg2[%add3A_7, %dma_start3A_8] : memref<2048x768xf32, #tpu.memory_space<hbm>> -> memref<32x768xf32, #tpu.memory_space<hbm>>
    %dma_start3A_10 = arith.constant 0 : i32
    %dma_start3A_11 = tpu.memref_slice %arg2[%add3A_7, %dma_start3A_10] : memref<2048x768xf32, #tpu.memory_space<hbm>> -> memref<32x768xf32, #tpu.memory_space<hbm>>
    tpu.enqueue_dma source(%dma_start3A_11 : memref<32x768xf32, #tpu.memory_space<hbm>>) target(%arg12 : memref<32x768xf32, #tpu.memory_space<vmem>>) target_semaphore(%arg14 : memref<!tpu.dma_semaphore, #tpu.memory_space<semaphore_mem>>)
    "tpu.region"() ({
      %run_scoped3A = tpu.sem_alloc : memref<!tpu.dma_semaphore, #tpu.memory_space<semaphore_mem>>
      %dma_start3A_47 = tpu.memref_slice %arg3[%mul3A_2] : memref<2048xi32, #tpu.memory_space<hbm>> -> memref<32xi32, #tpu.memory_space<hbm>>
      %dma_start3A_48 = tpu.memref_slice %arg3[%mul3A_2] : memref<2048xi32, #tpu.memory_space<hbm>> -> memref<32xi32, #tpu.memory_space<hbm>>
      tpu.enqueue_dma source(%dma_start3A_48 : memref<32xi32, #tpu.memory_space<hbm>>) target(%arg9 : memref<32xi32, #tpu.memory_space<vmem>>) target_semaphore(%run_scoped3A : memref<!tpu.dma_semaphore, #tpu.memory_space<semaphore_mem>>)
      %dma_wait3A_49 = tpu.memref_slice %arg3[%mul3A_2] : memref<2048xi32, #tpu.memory_space<hbm>> -> memref<32xi32, #tpu.memory_space<hbm>>
      %dma_wait3A_50 = tpu.memref_slice %arg3[%mul3A_2] : memref<2048xi32, #tpu.memory_space<hbm>> -> memref<32xi32, #tpu.memory_space<hbm>>
      tpu.wait_dma2 semaphore(%run_scoped3A : memref<!tpu.dma_semaphore, #tpu.memory_space<semaphore_mem>>) src(%dma_wait3A_50 : memref<32xi32, #tpu.memory_space<hbm>>) dst(%arg9 : memref<32xi32, #tpu.memory_space<vmem>>)
      tpu.yield
    }) : () -> ()
    %add3A_12 = arith.constant 32 : i32
    %add3A_13 = arith.addi %mul3A_2, %add3A_12 : i32
    "tpu.region"() ({
      %run_scoped3A = tpu.sem_alloc : memref<!tpu.dma_semaphore, #tpu.memory_space<semaphore_mem>>
      %dma_start3A_47 = tpu.memref_slice %arg3[%add3A_13] : memref<2048xi32, #tpu.memory_space<hbm>> -> memref<32xi32, #tpu.memory_space<hbm>>
      %dma_start3A_48 = tpu.memref_slice %arg3[%add3A_13] : memref<2048xi32, #tpu.memory_space<hbm>> -> memref<32xi32, #tpu.memory_space<hbm>>
      tpu.enqueue_dma source(%dma_start3A_48 : memref<32xi32, #tpu.memory_space<hbm>>) target(%arg10 : memref<32xi32, #tpu.memory_space<vmem>>) target_semaphore(%run_scoped3A : memref<!tpu.dma_semaphore, #tpu.memory_space<semaphore_mem>>)
      %dma_wait3A_49 = tpu.memref_slice %arg3[%add3A_13] : memref<2048xi32, #tpu.memory_space<hbm>> -> memref<32xi32, #tpu.memory_space<hbm>>
      %dma_wait3A_50 = tpu.memref_slice %arg3[%add3A_13] : memref<2048xi32, #tpu.memory_space<hbm>> -> memref<32xi32, #tpu.memory_space<hbm>>
      tpu.wait_dma2 semaphore(%run_scoped3A : memref<!tpu.dma_semaphore, #tpu.memory_space<semaphore_mem>>) src(%dma_wait3A_50 : memref<32xi32, #tpu.memory_space<hbm>>) dst(%arg10 : memref<32xi32, #tpu.memory_space<vmem>>)
      tpu.yield
    }) : () -> ()
    "tpu.region"() ({
      %run_scoped3A = tpu.sem_alloc : memref<!tpu.dma_semaphore, #tpu.memory_space<semaphore_mem>>
      %dma_start3A_47 = arith.constant 0 : i32
      %dma_start3A_48 = tpu.memref_slice %arg4[%mul3A_2, %dma_start3A_47] : memref<2048x128xf32, #tpu.memory_space<hbm>> -> memref<32x128xf32, #tpu.memory_space<hbm>>
      %dma_start3A_49 = arith.constant 0 : i32
      %dma_start3A_50 = tpu.memref_slice %arg4[%mul3A_2, %dma_start3A_49] : memref<2048x128xf32, #tpu.memory_space<hbm>> -> memref<32x128xf32, #tpu.memory_space<hbm>>
      tpu.enqueue_dma source(%dma_start3A_50 : memref<32x128xf32, #tpu.memory_space<hbm>>) target(%arg7 : memref<32x128xf32, #tpu.memory_space<vmem>>) target_semaphore(%run_scoped3A : memref<!tpu.dma_semaphore, #tpu.memory_space<semaphore_mem>>)
      %dma_wait3A_51 = arith.constant 0 : i32
      %dma_wait3A_52 = tpu.memref_slice %arg4[%mul3A_2, %dma_wait3A_51] : memref<2048x128xf32, #tpu.memory_space<hbm>> -> memref<32x128xf32, #tpu.memory_space<hbm>>
      %dma_wait3A_53 = arith.constant 0 : i32
      %dma_wait3A_54 = tpu.memref_slice %arg4[%mul3A_2, %dma_wait3A_53] : memref<2048x128xf32, #tpu.memory_space<hbm>> -> memref<32x128xf32, #tpu.memory_space<hbm>>
      tpu.wait_dma2 semaphore(%run_scoped3A : memref<!tpu.dma_semaphore, #tpu.memory_space<semaphore_mem>>) src(%dma_wait3A_54 : memref<32x128xf32, #tpu.memory_space<hbm>>) dst(%arg7 : memref<32x128xf32, #tpu.memory_space<vmem>>)
      tpu.yield
    }) : () -> ()
    %add3A_14 = arith.constant 32 : i32
    %add3A_15 = arith.addi %mul3A_2, %add3A_14 : i32
    "tpu.region"() ({
      %run_scoped3A = tpu.sem_alloc : memref<!tpu.dma_semaphore, #tpu.memory_space<semaphore_mem>>
      %dma_start3A_47 = arith.constant 0 : i32
      %dma_start3A_48 = tpu.memref_slice %arg4[%add3A_15, %dma_start3A_47] : memref<2048x128xf32, #tpu.memory_space<hbm>> -> memref<32x128xf32, #tpu.memory_space<hbm>>
      %dma_start3A_49 = arith.constant 0 : i32
      %dma_start3A_50 = tpu.memref_slice %arg4[%add3A_15, %dma_start3A_49] : memref<2048x128xf32, #tpu.memory_space<hbm>> -> memref<32x128xf32, #tpu.memory_space<hbm>>
      tpu.enqueue_dma source(%dma_start3A_50 : memref<32x128xf32, #tpu.memory_space<hbm>>) target(%arg8 : memref<32x128xf32, #tpu.memory_space<vmem>>) target_semaphore(%run_scoped3A : memref<!tpu.dma_semaphore, #tpu.memory_space<semaphore_mem>>)
      %dma_wait3A_51 = arith.constant 0 : i32
      %dma_wait3A_52 = tpu.memref_slice %arg4[%add3A_15, %dma_wait3A_51] : memref<2048x128xf32, #tpu.memory_space<hbm>> -> memref<32x128xf32, #tpu.memory_space<hbm>>
      %dma_wait3A_53 = arith.constant 0 : i32
      %dma_wait3A_54 = tpu.memref_slice %arg4[%add3A_15, %dma_wait3A_53] : memref<2048x128xf32, #tpu.memory_space<hbm>> -> memref<32x128xf32, #tpu.memory_space<hbm>>
      tpu.wait_dma2 semaphore(%run_scoped3A : memref<!tpu.dma_semaphore, #tpu.memory_space<semaphore_mem>>) src(%dma_wait3A_54 : memref<32x128xf32, #tpu.memory_space<hbm>>) dst(%arg8 : memref<32x128xf32, #tpu.memory_space<vmem>>)
      tpu.yield
    }) : () -> ()
    %dma_start3A_16 = arith.constant 0 : i32
    %dma_start3A_17 = arith.constant 0 : i32
    %dma_start3A_18 = tpu.memref_slice %arg6[%dma_start3A_16, %dma_start3A_17] : memref<5200x128xf32, #tpu.memory_space<hbm>> -> memref<5200x128xf32, #tpu.memory_space<hbm>>
    tpu.enqueue_indirect_dma source(%arg7 : memref<32x128xf32, #tpu.memory_space<vmem>>) target(%dma_start3A_18 : memref<5200x128xf32, #tpu.memory_space<hbm>>) offsets(%arg9 : memref<32xi32, #tpu.memory_space<vmem>>) semaphore(%arg17 : memref<!tpu.dma_semaphore, #tpu.memory_space<semaphore_mem>>)
    %dma_start3A_19 = arith.constant 0 : i32
    %dma_start3A_20 = arith.constant 0 : i32
    %dma_start3A_21 = tpu.memref_slice %arg6[%dma_start3A_19, %dma_start3A_20] : memref<5200x128xf32, #tpu.memory_space<hbm>> -> memref<5200x128xf32, #tpu.memory_space<hbm>>
    tpu.enqueue_indirect_dma source(%arg8 : memref<32x128xf32, #tpu.memory_space<vmem>>) target(%dma_start3A_21 : memref<5200x128xf32, #tpu.memory_space<hbm>>) offsets(%arg10 : memref<32xi32, #tpu.memory_space<vmem>>) semaphore(%arg18 : memref<!tpu.dma_semaphore, #tpu.memory_space<semaphore_mem>>)
    %dma_wait3A = arith.constant 0 : i32
    %dma_wait3A_22 = tpu.memref_slice %arg2[%mul3A_2, %dma_wait3A] : memref<2048x768xf32, #tpu.memory_space<hbm>> -> memref<32x768xf32, #tpu.memory_space<hbm>>
    %dma_wait3A_23 = arith.constant 0 : i32
    %dma_wait3A_24 = tpu.memref_slice %arg2[%mul3A_2, %dma_wait3A_23] : memref<2048x768xf32, #tpu.memory_space<hbm>> -> memref<32x768xf32, #tpu.memory_space<hbm>>
    tpu.wait_dma2 semaphore(%arg13 : memref<!tpu.dma_semaphore, #tpu.memory_space<semaphore_mem>>) src(%dma_wait3A_24 : memref<32x768xf32, #tpu.memory_space<hbm>>) dst(%arg11 : memref<32x768xf32, #tpu.memory_space<vmem>>)
    %dma_start3A_25 = arith.constant 0 : i32
    %dma_start3A_26 = arith.constant 0 : i32
    %dma_start3A_27 = tpu.memref_slice %arg5[%dma_start3A_25, %dma_start3A_26] : memref<5200x768xf32, #tpu.memory_space<hbm>> -> memref<5200x768xf32, #tpu.memory_space<hbm>>
    tpu.enqueue_indirect_dma source(%arg11 : memref<32x768xf32, #tpu.memory_space<vmem>>) target(%dma_start3A_27 : memref<5200x768xf32, #tpu.memory_space<hbm>>) offsets(%arg9 : memref<32xi32, #tpu.memory_space<vmem>>) semaphore(%arg15 : memref<!tpu.dma_semaphore, #tpu.memory_space<semaphore_mem>>)
    %dma_wait3A_28 = arith.constant 0 : i32
    %dma_wait3A_29 = tpu.memref_slice %arg2[%add3A_7, %dma_wait3A_28] : memref<2048x768xf32, #tpu.memory_space<hbm>> -> memref<32x768xf32, #tpu.memory_space<hbm>>
    %dma_wait3A_30 = arith.constant 0 : i32
    %dma_wait3A_31 = tpu.memref_slice %arg2[%add3A_7, %dma_wait3A_30] : memref<2048x768xf32, #tpu.memory_space<hbm>> -> memref<32x768xf32, #tpu.memory_space<hbm>>
    tpu.wait_dma2 semaphore(%arg14 : memref<!tpu.dma_semaphore, #tpu.memory_space<semaphore_mem>>) src(%dma_wait3A_31 : memref<32x768xf32, #tpu.memory_space<hbm>>) dst(%arg12 : memref<32x768xf32, #tpu.memory_space<vmem>>)
    %dma_start3A_32 = arith.constant 0 : i32
    %dma_start3A_33 = arith.constant 0 : i32
    %dma_start3A_34 = tpu.memref_slice %arg5[%dma_start3A_32, %dma_start3A_33] : memref<5200x768xf32, #tpu.memory_space<hbm>> -> memref<5200x768xf32, #tpu.memory_space<hbm>>
    tpu.enqueue_indirect_dma source(%arg12 : memref<32x768xf32, #tpu.memory_space<vmem>>) target(%dma_start3A_34 : memref<5200x768xf32, #tpu.memory_space<hbm>>) offsets(%arg10 : memref<32xi32, #tpu.memory_space<vmem>>) semaphore(%arg16 : memref<!tpu.dma_semaphore, #tpu.memory_space<semaphore_mem>>)
    %dma_wait3A_35 = arith.constant 0 : i32
    %dma_wait3A_36 = arith.constant 0 : i32
    %dma_wait3A_37 = tpu.memref_slice %arg6[%dma_wait3A_35, %dma_wait3A_36] : memref<5200x128xf32, #tpu.memory_space<hbm>> -> memref<5200x128xf32, #tpu.memory_space<hbm>>
    tpu.wait_indirect_dma semaphore(%arg17 : memref<!tpu.dma_semaphore, #tpu.memory_space<semaphore_mem>>) src(%arg7 : memref<32x128xf32, #tpu.memory_space<vmem>>) dst(%dma_wait3A_37 : memref<5200x128xf32, #tpu.memory_space<hbm>>)
    %dma_wait3A_38 = arith.constant 0 : i32
    %dma_wait3A_39 = arith.constant 0 : i32
    %dma_wait3A_40 = tpu.memref_slice %arg6[%dma_wait3A_38, %dma_wait3A_39] : memref<5200x128xf32, #tpu.memory_space<hbm>> -> memref<5200x128xf32, #tpu.memory_space<hbm>>
    tpu.wait_indirect_dma semaphore(%arg18 : memref<!tpu.dma_semaphore, #tpu.memory_space<semaphore_mem>>) src(%arg8 : memref<32x128xf32, #tpu.memory_space<vmem>>) dst(%dma_wait3A_40 : memref<5200x128xf32, #tpu.memory_space<hbm>>)
    %dma_wait3A_41 = arith.constant 0 : i32
    %dma_wait3A_42 = arith.constant 0 : i32
    %dma_wait3A_43 = tpu.memref_slice %arg5[%dma_wait3A_41, %dma_wait3A_42] : memref<5200x768xf32, #tpu.memory_space<hbm>> -> memref<5200x768xf32, #tpu.memory_space<hbm>>
    tpu.wait_indirect_dma semaphore(%arg15 : memref<!tpu.dma_semaphore, #tpu.memory_space<semaphore_mem>>) src(%arg11 : memref<32x768xf32, #tpu.memory_space<vmem>>) dst(%dma_wait3A_43 : memref<5200x768xf32, #tpu.memory_space<hbm>>)
    %dma_wait3A_44 = arith.constant 0 : i32
    %dma_wait3A_45 = arith.constant 0 : i32
    %dma_wait3A_46 = tpu.memref_slice %arg5[%dma_wait3A_44, %dma_wait3A_45] : memref<5200x768xf32, #tpu.memory_space<hbm>> -> memref<5200x768xf32, #tpu.memory_space<hbm>>
    tpu.wait_indirect_dma semaphore(%arg16 : memref<!tpu.dma_semaphore, #tpu.memory_space<semaphore_mem>>) src(%arg12 : memref<32x768xf32, #tpu.memory_space<vmem>>) dst(%dma_wait3A_46 : memref<5200x768xf32, #tpu.memory_space<hbm>>)
    return
  }
}

module attributes {stable_mosaic.version = 14 : i64} {
  func.func @_router_body(%arg0: i32, %arg1: memref<256x768xf32, #tpu.memory_space<vmem>>, %arg2: memref<768x64xf32, #tpu.memory_space<vmem>>, %arg3: memref<256x8xi32, #tpu.memory_space<vmem>>, %arg4: memref<256x128xf32, #tpu.memory_space<vmem>>, %arg5: memref<1x1xf32, #tpu.memory_space<smem>>, %arg6: memref<8x64xf32, #tpu.memory_space<vmem>>, %arg7: memref<8x64xf32, #tpu.memory_space<vmem>>) attributes {dimension_semantics = [#tpu.dimension_semantics<arbitrary>], iteration_bounds = array<i64: 8>, scalar_prefetch = 0 : i64, scratch_operands = 2 : i64, tpu.core_type = #tpu.core_type<tc>, window_params = [{transform_indices = @transform_0, window_bounds = array<i64: 256, 768>}, {pipeline_mode = #tpu.pipeline_mode<synchronous>, transform_indices = @transform_1, window_bounds = array<i64: 768, 64>}, {transform_indices = @transform_2, window_bounds = array<i64: 256, 8>}, {transform_indices = @transform_3, window_bounds = array<i64: 256, 128>}, {transform_indices = @transform_4, window_bounds = array<i64: 1, 1>}]} {
    %eq3A = arith.constant 0 : i32
    %eq3A_0 = arith.cmpi eq, %arg0, %eq3A : i32
    %convert_element_type3A = arith.extui %eq3A_0 : i1 to i32
    %cond3A = arith.constant 0 : i32
    %cond3A_1 = arith.cmpi ne, %convert_element_type3A, %cond3A : i32
    scf.if %cond3A_1 {
      %broadcast_in_dim3A_88 = arith.constant 0.000000e+00 : f32
      %broadcast_in_dim3A_89 = vector.broadcast %broadcast_in_dim3A_88 : f32 to vector<8x64xf32>
      %swap3A_90 = arith.constant 0 : index
      %swap3A_91 = arith.constant 0 : index
      %swap3A_92 = vector.load %arg6[%swap3A_90, %swap3A_91] : memref<8x64xf32, #tpu.memory_space<vmem>>, vector<8x64xf32>
      tpu.vector_store %arg6[%swap3A_90, %swap3A_91], %broadcast_in_dim3A_89 {strides = array<i32>} : memref<8x64xf32, #tpu.memory_space<vmem>>, vector<8x64xf32>,
      %broadcast_in_dim3A_93 = arith.constant 0.000000e+00 : f32
      %broadcast_in_dim3A_94 = vector.broadcast %broadcast_in_dim3A_93 : f32 to vector<8x64xf32>
      %swap3A_95 = arith.constant 0 : index
      %swap3A_96 = arith.constant 0 : index
      %swap3A_97 = vector.load %arg7[%swap3A_95, %swap3A_96] : memref<8x64xf32, #tpu.memory_space<vmem>>, vector<8x64xf32>
      tpu.vector_store %arg7[%swap3A_95, %swap3A_96], %broadcast_in_dim3A_94 {strides = array<i32>} : memref<8x64xf32, #tpu.memory_space<vmem>>, vector<8x64xf32>,
    } else {
    }
    %get3A = arith.constant 0 : index
    %get3A_2 = arith.constant 0 : index
    %get3A_3 = vector.load %arg1[%get3A, %get3A_2] : memref<256x768xf32, #tpu.memory_space<vmem>>, vector<256x768xf32>
    %get3A_4 = arith.constant 0 : index
    %get3A_5 = arith.constant 0 : index
    %get3A_6 = vector.load %arg2[%get3A_4, %get3A_5] : memref<768x64xf32, #tpu.memory_space<vmem>>, vector<768x64xf32>
    %dot_general3A = arith.constant dense<0.000000e+00> : vector<256x64xf32>
    %dot_general3A_7 = tpu.matmul %get3A_3, %get3A_6, %dot_general3A {dimension_numbers = #tpu.dot_dimension_numbers<[1], [0], [0], [1], [0, 0, 1, 1], [], []>, transpose_lhs_hint = false} : vector<256x768xf32>, vector<768x64xf32>, vector<256x64xf32> -> vector<256x64xf32>
    %reduce_max3A = arith.constant dense<0xFF800000> : vector<256xf32>
    %reduce_max3A_8 = vector.multi_reduction <maximumf>, %dot_general3A_7, %reduce_max3A [1] : vector<256x64xf32> to vector<256xf32>
    %broadcast_in_dim3A = vector.shape_cast %reduce_max3A_8 : vector<256xf32> to vector<256x1xf32>
    %sub3A = vector.broadcast %broadcast_in_dim3A : vector<256x1xf32> to vector<256x64xf32>
    %sub3A_9 = arith.subf %dot_general3A_7, %sub3A : vector<256x64xf32>
    %exp3A = math.exp %sub3A_9 : vector<256x64xf32>
    %reduce_sum3A = arith.constant dense<0.000000e+00> : vector<256xf32>
    %reduce_sum3A_10 = vector.multi_reduction <add>, %exp3A, %reduce_sum3A [1] : vector<256x64xf32> to vector<256xf32>
    %broadcast_in_dim3A_11 = vector.shape_cast %reduce_sum3A_10 : vector<256xf32> to vector<256x1xf32>
    %div3A = vector.broadcast %broadcast_in_dim3A_11 : vector<256x1xf32> to vector<256x64xf32>
    %div3A_12 = arith.divf %exp3A, %div3A : vector<256x64xf32>
    %reduce_max3A_13 = arith.constant dense<0xFF800000> : vector<256xf32>
    %reduce_max3A_14 = vector.multi_reduction <maximumf>, %div3A_12, %reduce_max3A_13 [1] : vector<256x64xf32> to vector<256xf32>
    %broadcast_in_dim3A_15 = vector.shape_cast %reduce_max3A_14 : vector<256xf32> to vector<256x1xf32>
    %iota3A = tpu.iota {dimensions = array<i32: 1>} : vector<256x64xi32>
    %convert_element_type3A_16 = arith.sitofp %iota3A : vector<256x64xi32> to vector<256x64xf32>
    %eq3A_17 = vector.broadcast %broadcast_in_dim3A_15 : vector<256x1xf32> to vector<256x64xf32>
    %eq3A_18 = arith.cmpf oeq, %div3A_12, %eq3A_17 : vector<256x64xf32>
    %jit3A = arith.constant 6.400000e+01 : f32
    %broadcast_in_dim3A_19 = vector.broadcast %jit3A : f32 to vector<256x64xf32>
    %select_n3A = arith.select %eq3A_18, %convert_element_type3A_16, %broadcast_in_dim3A_19 : vector<256x64xi1>, vector<256x64xf32>
    %reduce_min3A = arith.constant dense<0x7F800000> : vector<256xf32>
    %reduce_min3A_20 = vector.multi_reduction <minimumf>, %select_n3A, %reduce_min3A [1] : vector<256x64xf32> to vector<256xf32>
    %broadcast_in_dim3A_21 = vector.shape_cast %reduce_min3A_20 : vector<256xf32> to vector<256x1xf32>
    %eq3A_22 = vector.broadcast %broadcast_in_dim3A_21 : vector<256x1xf32> to vector<256x64xf32>
    %eq3A_23 = arith.cmpf oeq, %convert_element_type3A_16, %eq3A_22 : vector<256x64xf32>
    %convert_element_type3A_24 = arith.extui %eq3A_23 : vector<256x64xi1> to vector<256x64xi32>
    %convert_element_type3A_25 = arith.sitofp %convert_element_type3A_24 : vector<256x64xi32> to vector<256x64xf32>
    %iota3A_26 = tpu.iota {dimensions = array<i32: 0>} : vector<256x256xi32>
    %iota3A_27 = tpu.iota {dimensions = array<i32: 1>} : vector<256x256xi32>
    %ge3A = arith.cmpi sge, %iota3A_26, %iota3A_27 : vector<256x256xi32>
    %convert_element_type3A_28 = arith.extui %ge3A : vector<256x256xi1> to vector<256x256xi32>
    %convert_element_type3A_29 = arith.sitofp %convert_element_type3A_28 : vector<256x256xi32> to vector<256x256xf32>
    %dot_general3A_30 = arith.constant dense<0.000000e+00> : vector<256x64xf32>
    %dot_general3A_31 = tpu.matmul %convert_element_type3A_29, %convert_element_type3A_25, %dot_general3A_30 {dimension_numbers = #tpu.dot_dimension_numbers<[1], [0], [0], [1], [0, 0, 1, 1], [], []>, transpose_lhs_hint = false} : vector<256x256xf32>, vector<256x64xf32>, vector<256x64xf32> -> vector<256x64xf32>
    %get3A_32 = arith.constant 0 : index
    %get3A_33 = arith.constant 0 : index
    %get3A_34 = vector.load %arg6[%get3A_32, %get3A_33] : memref<8x64xf32, #tpu.memory_space<vmem>>, vector<1x64xf32>
    %sub3A_35 = arith.constant 1.000000e+00 : f32
    %sub3A_36 = vector.broadcast %sub3A_35 : f32 to vector<256x64xf32>
    %sub3A_37 = arith.subf %dot_general3A_31, %sub3A_36 : vector<256x64xf32>
    %add3A = vector.broadcast %get3A_34 : vector<1x64xf32> to vector<256x64xf32>
    %add3A_38 = arith.addf %sub3A_37, %add3A : vector<256x64xf32>
    %mul3A = arith.mulf %convert_element_type3A_25, %add3A_38 : vector<256x64xf32>
    %reduce_sum3A_39 = arith.constant dense<0.000000e+00> : vector<256xf32>
    %reduce_sum3A_40 = vector.multi_reduction <add>, %mul3A, %reduce_sum3A_39 [1] : vector<256x64xf32> to vector<256xf32>
    %broadcast_in_dim3A_41 = vector.shape_cast %reduce_sum3A_40 : vector<256xf32> to vector<256x1xf32>
    %reduce_sum3A_42 = arith.constant dense<0.000000e+00> : vector<64xf32>
    %reduce_sum3A_43 = vector.multi_reduction <add>, %convert_element_type3A_25, %reduce_sum3A_42 [0] : vector<256x64xf32> to vector<64xf32>
    %broadcast_in_dim3A_44 = vector.shape_cast %reduce_sum3A_43 : vector<64xf32> to vector<1x64xf32>
    %add3A_45 = arith.addf %get3A_34, %broadcast_in_dim3A_44 : vector<1x64xf32>
    %swap3A = arith.constant 0 : index
    %swap3A_46 = arith.constant 0 : index
    %swap3A_47 = vector.load %arg6[%swap3A, %swap3A_46] : memref<8x64xf32, #tpu.memory_space<vmem>>, vector<1x64xf32>
    tpu.vector_store %arg6[%swap3A, %swap3A_46], %add3A_45 {strides = array<i32>} : memref<8x64xf32, #tpu.memory_space<vmem>>, vector<1x64xf32>,
    %get3A_48 = arith.constant 0 : index
    %get3A_49 = arith.constant 0 : index
    %get3A_50 = vector.load %arg7[%get3A_48, %get3A_49] : memref<8x64xf32, #tpu.memory_space<vmem>>, vector<1x64xf32>
    %reduce_sum3A_51 = arith.constant dense<0.000000e+00> : vector<64xf32>
    %reduce_sum3A_52 = vector.multi_reduction <add>, %div3A_12, %reduce_sum3A_51 [0] : vector<256x64xf32> to vector<64xf32>
    %broadcast_in_dim3A_53 = vector.shape_cast %reduce_sum3A_52 : vector<64xf32> to vector<1x64xf32>
    %add3A_54 = arith.addf %get3A_50, %broadcast_in_dim3A_53 : vector<1x64xf32>
    %swap3A_55 = arith.constant 0 : index
    %swap3A_56 = arith.constant 0 : index
    %swap3A_57 = vector.load %arg7[%swap3A_55, %swap3A_56] : memref<8x64xf32, #tpu.memory_space<vmem>>, vector<1x64xf32>
    tpu.vector_store %arg7[%swap3A_55, %swap3A_56], %add3A_54 {strides = array<i32>} : memref<8x64xf32, #tpu.memory_space<vmem>>, vector<1x64xf32>,
    %lt3A = arith.constant 8.000000e+01 : f32
    %lt3A_58 = vector.broadcast %lt3A : f32 to vector<256x1xf32>
    %lt3A_59 = arith.cmpf olt, %broadcast_in_dim3A_41, %lt3A_58 : vector<256x1xf32>
    %mul3A_60 = arith.constant 8.000000e+01 : f32
    %mul3A_61 = vector.broadcast %mul3A_60 : f32 to vector<256x1xf32>
    %mul3A_62 = arith.mulf %broadcast_in_dim3A_21, %mul3A_61 : vector<256x1xf32>
    %min3A = arith.constant 7.900000e+01 : f32
    %min3A_63 = vector.broadcast %min3A : f32 to vector<256x1xf32>
    %min3A_64 = arith.minimumf %broadcast_in_dim3A_41, %min3A_63 : vector<256x1xf32>
    %add3A_65 = arith.addf %mul3A_62, %min3A_64 : vector<256x1xf32>
    %jit3A_66 = arith.constant 5.120000e+03 : f32
    %broadcast_in_dim3A_67 = vector.broadcast %jit3A_66 : f32 to vector<256x1xf32>
    %select_n3A_68 = arith.select %lt3A_59, %add3A_65, %broadcast_in_dim3A_67 : vector<256x1xi1>, vector<256x1xf32>
    %jit3A_69 = arith.constant 0.000000e+00 : f32
    %broadcast_in_dim3A_70 = vector.broadcast %jit3A_69 : f32 to vector<256x1xf32>
    %select_n3A_71 = arith.select %lt3A_59, %broadcast_in_dim3A_15, %broadcast_in_dim3A_70 : vector<256x1xi1>, vector<256x1xf32>
    %broadcast_in_dim3A_72 = vector.shape_cast %select_n3A_68 : vector<256x1xf32> to vector<256x1xf32>
    %broadcast_in_dim3A_73 = vector.broadcast %broadcast_in_dim3A_72 : vector<256x1xf32> to vector<256x8xf32>
    %convert_element_type3A_74 = arith.fptosi %broadcast_in_dim3A_73 : vector<256x8xf32> to vector<256x8xi32>
    %swap3A_75 = arith.constant 0 : index
    %swap3A_76 = arith.constant 0 : index
    %swap3A_77 = vector.load %arg3[%swap3A_75, %swap3A_76] : memref<256x8xi32, #tpu.memory_space<vmem>>, vector<256x8xi32>
    tpu.vector_store %arg3[%swap3A_75, %swap3A_76], %convert_element_type3A_74 {strides = array<i32>} : memref<256x8xi32, #tpu.memory_space<vmem>>, vector<256x8xi32>,
    %broadcast_in_dim3A_78 = vector.shape_cast %select_n3A_71 : vector<256x1xf32> to vector<256x1xf32>
    %broadcast_in_dim3A_79 = vector.broadcast %broadcast_in_dim3A_78 : vector<256x1xf32> to vector<256x128xf32>
    %swap3A_80 = arith.constant 0 : index
    %swap3A_81 = arith.constant 0 : index
    %swap3A_82 = vector.load %arg4[%swap3A_80, %swap3A_81] : memref<256x128xf32, #tpu.memory_space<vmem>>, vector<256x128xf32>
    tpu.vector_store %arg4[%swap3A_80, %swap3A_81], %broadcast_in_dim3A_79 {strides = array<i32>} : memref<256x128xf32, #tpu.memory_space<vmem>>, vector<256x128xf32>,
    %eq3A_83 = arith.constant 7 : i32
    %eq3A_84 = arith.cmpi eq, %arg0, %eq3A_83 : i32
    %convert_element_type3A_85 = arith.extui %eq3A_84 : i1 to i32
    %cond3A_86 = arith.constant 0 : i32
    %cond3A_87 = arith.cmpi ne, %convert_element_type3A_85, %cond3A_86 : i32
    scf.if %cond3A_87 {
      %get3A_88 = arith.constant 0 : index
      %get3A_89 = arith.constant 0 : index
      %get3A_90 = vector.load %arg6[%get3A_88, %get3A_89] : memref<8x64xf32, #tpu.memory_space<vmem>>, vector<1x64xf32>
      %mul3A_91 = arith.constant 4.8828125E-4 : f32
      %mul3A_92 = vector.broadcast %mul3A_91 : f32 to vector<1x64xf32>
      %mul3A_93 = arith.mulf %get3A_90, %mul3A_92 : vector<1x64xf32>
      %get3A_94 = arith.constant 0 : index
      %get3A_95 = arith.constant 0 : index
      %get3A_96 = vector.load %arg7[%get3A_94, %get3A_95] : memref<8x64xf32, #tpu.memory_space<vmem>>, vector<1x64xf32>
      %mul3A_97 = arith.constant 4.8828125E-4 : f32
      %mul3A_98 = vector.broadcast %mul3A_97 : f32 to vector<1x64xf32>
      %mul3A_99 = arith.mulf %get3A_96, %mul3A_98 : vector<1x64xf32>
      %mul3A_100 = arith.mulf %mul3A_93, %mul3A_99 : vector<1x64xf32>
      %reduce_sum3A_101 = vector.shape_cast %mul3A_100 : vector<1x64xf32> to vector<1x1x64xf32>
      %reduce_sum3A_102 = arith.constant dense<0.000000e+00> : vector<1xf32>
      %reduce_sum3A_103 = vector.multi_reduction <add>, %reduce_sum3A_101, %reduce_sum3A_102 [1, 2] : vector<1x1x64xf32> to vector<1xf32>
      %reduce_sum3A_104 = vector.shape_cast %reduce_sum3A_103 : vector<1xf32> to vector<1x1x1xf32>
      %reduce_sum3A_105 = vector.extract %reduce_sum3A_104[0, 0, 0] : f32 from vector<1x1x1xf32>
      %mul3A_106 = arith.constant 6.400000e+01 : f32
      %mul3A_107 = arith.mulf %mul3A_106, %reduce_sum3A_105 : f32
      %swap3A_108 = arith.constant 0 : index
      %swap3A_109 = arith.constant 0 : index
      %swap3A_110 = memref.load %arg5[%swap3A_108, %swap3A_109] : memref<1x1xf32, #tpu.memory_space<smem>>
      memref.store %mul3A_107, %arg5[%swap3A_108, %swap3A_109] : memref<1x1xf32, #tpu.memory_space<smem>>
    } else {
    }
    return
  }
  func.func @transform_0(%arg0: i32) -> (i32, i32) {
    %c0_i32 = arith.constant 0 : i32
    %c0_i32_0 = arith.constant 0 : i32
    return %arg0, %c0_i32 : i32, i32
  }
  func.func @transform_1(%arg0: i32) -> (i32, i32) {
    %c0_i32 = arith.constant 0 : i32
    %c0_i32_0 = arith.constant 0 : i32
    %c0_i32_1 = arith.constant 0 : i32
    return %c0_i32, %c0_i32_0 : i32, i32
  }
  func.func @transform_2(%arg0: i32) -> (i32, i32) {
    %c0_i32 = arith.constant 0 : i32
    %c0_i32_0 = arith.constant 0 : i32
    return %arg0, %c0_i32 : i32, i32
  }
  func.func @transform_3(%arg0: i32) -> (i32, i32) {
    %c0_i32 = arith.constant 0 : i32
    %c0_i32_0 = arith.constant 0 : i32
    return %arg0, %c0_i32 : i32, i32
  }
  func.func @transform_4(%arg0: i32) -> (i32, i32) {
    %c0_i32 = arith.constant 0 : i32
    %c0_i32_0 = arith.constant 0 : i32
    %c0_i32_1 = arith.constant 0 : i32
    return %c0_i32, %c0_i32_0 : i32, i32
  }
}

module attributes {stable_mosaic.version = 14 : i64} {
  func.func @_ffn_body(%arg0: i32, %arg1: memref<80x768xf32, #tpu.memory_space<vmem>>, %arg2: memref<1x768x2048xf32, #tpu.memory_space<vmem>>, %arg3: memref<1x1x2048xf32, #tpu.memory_space<vmem>>, %arg4: memref<1x2048x768xf32, #tpu.memory_space<vmem>>, %arg5: memref<1x1x768xf32, #tpu.memory_space<vmem>>, %arg6: memref<1x80x128xf32, #tpu.memory_space<vmem>>, %arg7: memref<80x768xf32, #tpu.memory_space<vmem>>) attributes {dimension_semantics = [#tpu.dimension_semantics<arbitrary>], iteration_bounds = array<i64: 65>, scalar_prefetch = 0 : i64, scratch_operands = 0 : i64, tpu.core_type = #tpu.core_type<tc>, window_params = [{transform_indices = @transform_0, window_bounds = array<i64: 80, 768>}, {transform_indices = @transform_1, window_bounds = array<i64: 1, 768, 2048>}, {transform_indices = @transform_2, window_bounds = array<i64: 1, 1, 2048>}, {transform_indices = @transform_3, window_bounds = array<i64: 1, 2048, 768>}, {transform_indices = @transform_4, window_bounds = array<i64: 1, 1, 768>}, {transform_indices = @transform_5, window_bounds = array<i64: 1, 80, 128>}, {transform_indices = @transform_6, window_bounds = array<i64: 80, 768>}]} {
    %lt3A = arith.constant 64 : i32
    %lt3A_0 = arith.cmpi slt, %arg0, %lt3A : i32
    %get3A = arith.constant 0 : index
    %get3A_1 = arith.constant 0 : index
    %get3A_2 = vector.load %arg1[%get3A, %get3A_1] : memref<80x768xf32, #tpu.memory_space<vmem>>, vector<80x768xf32>
    %jit3A = arith.constant 0.000000e+00 : f32
    %broadcast_in_dim3A = vector.broadcast %jit3A : f32 to vector<80x768xf32>
    %select_n3A = arith.select %lt3A_0, %get3A_2, %broadcast_in_dim3A : vector<80x768xf32>
    %get3A_3 = arith.constant 0 : index
    %get3A_4 = arith.constant 0 : index
    %get3A_5 = arith.constant 0 : index
    %get3A_6 = vector.load %arg2[%get3A_3, %get3A_4, %get3A_5] : memref<1x768x2048xf32, #tpu.memory_space<vmem>>, vector<1x768x2048xf32>
    %get3A_7 = vector.shape_cast %get3A_6 : vector<1x768x2048xf32> to vector<768x2048xf32>
    %dot_general3A = arith.constant dense<0.000000e+00> : vector<80x2048xf32>
    %dot_general3A_8 = tpu.matmul %select_n3A, %get3A_7, %dot_general3A {dimension_numbers = #tpu.dot_dimension_numbers<[1], [0], [0], [1], [0, 0, 1, 1], [], []>, transpose_lhs_hint = false} : vector<80x768xf32>, vector<768x2048xf32>, vector<80x2048xf32> -> vector<80x2048xf32>
    %get3A_9 = arith.constant 0 : index
    %get3A_10 = arith.constant 0 : index
    %get3A_11 = arith.constant 0 : index
    %get3A_12 = vector.load %arg3[%get3A_9, %get3A_10, %get3A_11] : memref<1x1x2048xf32, #tpu.memory_space<vmem>>, vector<1x1x2048xf32>
    %get3A_13 = vector.shape_cast %get3A_12 : vector<1x1x2048xf32> to vector<1x2048xf32>
    %add3A = vector.broadcast %get3A_13 : vector<1x2048xf32> to vector<80x2048xf32>
    %add3A_14 = arith.addf %dot_general3A_8, %add3A : vector<80x2048xf32>
    %max3A = arith.constant 0.000000e+00 : f32
    %max3A_15 = vector.broadcast %max3A : f32 to vector<80x2048xf32>
    %max3A_16 = arith.maximumf %add3A_14, %max3A_15 : vector<80x2048xf32>
    %get3A_17 = arith.constant 0 : index
    %get3A_18 = arith.constant 0 : index
    %get3A_19 = arith.constant 0 : index
    %get3A_20 = vector.load %arg4[%get3A_17, %get3A_18, %get3A_19] : memref<1x2048x768xf32, #tpu.memory_space<vmem>>, vector<1x2048x768xf32>
    %get3A_21 = vector.shape_cast %get3A_20 : vector<1x2048x768xf32> to vector<2048x768xf32>
    %dot_general3A_22 = arith.constant dense<0.000000e+00> : vector<80x768xf32>
    %dot_general3A_23 = tpu.matmul %max3A_16, %get3A_21, %dot_general3A_22 {dimension_numbers = #tpu.dot_dimension_numbers<[1], [0], [0], [1], [0, 0, 1, 1], [], []>, transpose_lhs_hint = false} : vector<80x2048xf32>, vector<2048x768xf32>, vector<80x768xf32> -> vector<80x768xf32>
    %get3A_24 = arith.constant 0 : index
    %get3A_25 = arith.constant 0 : index
    %get3A_26 = arith.constant 0 : index
    %get3A_27 = vector.load %arg6[%get3A_24, %get3A_25, %get3A_26] : memref<1x80x128xf32, #tpu.memory_space<vmem>>, vector<1x80x1xf32>
    %get3A_28 = vector.shape_cast %get3A_27 : vector<1x80x1xf32> to vector<80x1xf32>
    %get3A_29 = arith.constant 0 : index
    %get3A_30 = arith.constant 0 : index
    %get3A_31 = arith.constant 0 : index
    %get3A_32 = vector.load %arg5[%get3A_29, %get3A_30, %get3A_31] : memref<1x1x768xf32, #tpu.memory_space<vmem>>, vector<1x1x768xf32>
    %get3A_33 = vector.shape_cast %get3A_32 : vector<1x1x768xf32> to vector<1x768xf32>
    %add3A_34 = vector.broadcast %get3A_33 : vector<1x768xf32> to vector<80x768xf32>
    %add3A_35 = arith.addf %dot_general3A_23, %add3A_34 : vector<80x768xf32>
    %mul3A = vector.broadcast %get3A_28 : vector<80x1xf32> to vector<80x768xf32>
    %mul3A_36 = arith.mulf %add3A_35, %mul3A : vector<80x768xf32>
    %swap3A = arith.constant 0 : index
    %swap3A_37 = arith.constant 0 : index
    %swap3A_38 = vector.load %arg7[%swap3A, %swap3A_37] : memref<80x768xf32, #tpu.memory_space<vmem>>, vector<80x768xf32>
    tpu.vector_store %arg7[%swap3A, %swap3A_37], %mul3A_36 {strides = array<i32>} : memref<80x768xf32, #tpu.memory_space<vmem>>, vector<80x768xf32>,
    return
  }
  func.func @transform_0(%arg0: i32) -> (i32, i32) {
    %c0_i32 = arith.constant 0 : i32
    %c0_i32_0 = arith.constant 0 : i32
    return %arg0, %c0_i32 : i32, i32
  }
  func.func @transform_1(%arg0: i32) -> (i32, i32, i32) {
    %min3A = arith.constant 63 : i32
    %min3A_0 = arith.minsi %arg0, %min3A : i32
    %c0_i32 = arith.constant 0 : i32
    %c0_i32_1 = arith.constant 0 : i32
    %c0_i32_2 = arith.constant 0 : i32
    return %min3A_0, %c0_i32, %c0_i32_1 : i32, i32, i32
  }
  func.func @transform_2(%arg0: i32) -> (i32, i32, i32) {
    %min3A = arith.constant 63 : i32
    %min3A_0 = arith.minsi %arg0, %min3A : i32
    %c0_i32 = arith.constant 0 : i32
    %c0_i32_1 = arith.constant 0 : i32
    %c0_i32_2 = arith.constant 0 : i32
    return %min3A_0, %c0_i32, %c0_i32_1 : i32, i32, i32
  }
  func.func @transform_3(%arg0: i32) -> (i32, i32, i32) {
    %min3A = arith.constant 63 : i32
    %min3A_0 = arith.minsi %arg0, %min3A : i32
    %c0_i32 = arith.constant 0 : i32
    %c0_i32_1 = arith.constant 0 : i32
    %c0_i32_2 = arith.constant 0 : i32
    return %min3A_0, %c0_i32, %c0_i32_1 : i32, i32, i32
  }
  func.func @transform_4(%arg0: i32) -> (i32, i32, i32) {
    %min3A = arith.constant 63 : i32
    %min3A_0 = arith.minsi %arg0, %min3A : i32
    %c0_i32 = arith.constant 0 : i32
    %c0_i32_1 = arith.constant 0 : i32
    %c0_i32_2 = arith.constant 0 : i32
    return %min3A_0, %c0_i32, %c0_i32_1 : i32, i32, i32
  }
  func.func @transform_5(%arg0: i32) -> (i32, i32, i32) {
    %c0_i32 = arith.constant 0 : i32
    %c0_i32_0 = arith.constant 0 : i32
    %c0_i32_1 = arith.constant 0 : i32
    return %arg0, %c0_i32, %c0_i32_0 : i32, i32, i32
  }
  func.func @transform_6(%arg0: i32) -> (i32, i32) {
    %c0_i32 = arith.constant 0 : i32
    %c0_i32_0 = arith.constant 0 : i32
    return %arg0, %c0_i32 : i32, i32
  }
}

</mosaic_0001>

<sc_bundles>
// kernel: kernel.6.cloned.1.call-start
scs
__scs_entry_jumppad:
0x0: {  	(pc) =	sbr.rel $0x88, $3  }
0x1: {  	(tag) =	ssettag $0x0;
	lr =	simm.s32 $0x1  }
0x2: {  	[smem:$0x3F9B] =	sst lr;
	_ =	strace $0xD0000000  }
0x3: {  	_ = 	snop  }
0x4: {  	_ = 	snop  }
0x5: {  	_ = 	snop  }
0x6: {  	_ = 	snop  }
0x7: {  	_ = 	snop  }
__scs_overlays_trampoline_lowered:
0x8: {  	[smem:$0x3FAA] =	sst s0  }
0x9: {  	[smem:$0x3FAB] =	sst s1  }
0xa: {  	[smem:$0x3FAC] =	sst s2  }
0xb: {  	[smem:$0x3FAD] =	sst s3  }
0xc: {  	[smem:$0x3FAE] =	sst s4  }
0xd: {  	[smem:$0x3FAF] =	sst s5  }
0xe: {  	[smem:$0x3FB0] =	sst s6  }
0xf: {  	[smem:$0x3FB1] =	sst s7  }
0x10: {  	[smem:$0x3FB2] =	sst s8  }
0x11: {  	[smem:$0x3FB3] =	sst s9;
	s0 =	simm.s32 @!p0 $0x0  }
0x12: {  	s1 =	sld [smem:$0x3F99];
	s0 =	simm.s32 @p0 $0x1  }
0x13: {  	[smem:$0x3FB4] =	sst s0;
	s0 =	simm.s32 @!p1 $0x0  }
0x14: {  	s2 =	sld [smem:$0x3F98];
	s0 =	simm.s32 @p1 $0x1  }
0x15: {  	[smem:$0x3FB5] =	sst s0;
	s0 =	simm.s32 @!p2 $0x0  }
0x16: {  	s3 =	sld [smem:$0x3FDB];
	s0 =	simm.s32 @p2 $0x1  }
0x17: {  	s4 =	simm.s32 $0x1BF5;
	[smem:$0x3FB7] =	sst s0  }
0x18: {  	s0 =	sld [smem:$0x3F9A];
	_ =	swait.ge [sflag:s4], $0x0  }
0x19: {  	s7 =	sld [smem:$0x3F9B]  }
0x1a: {  	s8 =	sadd.s32 $0xFFFFE003, lr  }
0x1b: {  	s9 =	sadd.s32 $0xFFFFFEF7, lr;
	s5 =	simm.s32 $0xFFFFFFFF;
	p2 =	slt.u32 s8, $0xFFFFF086  }
0x1c: {  	p1 =	slt.u32 s9, $0xF7A;
	s5 =	simm.s32 @!p2 $0x0  }
0x1d: {  	s5 =	simm.s32 @p1 $0x1;
	p0 =	seq.s32 s7, s2  }
0x1e: {  	s7 =	smul.u32 @!p0 $0xF7A, s2;
	p2 =	seq.s32 @!p0 s5, $0x0  }
0x1f: {  	s9 =	smul.u32 $0xF7A, s1;
	s8 =	simm.s32 @!p0 $0x1BF5;
	p2 =	por !p2, p0  }
0x20: {  	[sflag:s8] =	ssyncset.s32 @!p0 $0xFFFFF086;
	s6 =	sadd.s32 @!p0 s3, s7;
	s7 =	simm.s32 @!p0 $0x108  }
0x21: {  	s3 =	sadd.s32 s3, s9;
	s6 =	sadd.s32 @!p0 $0x88, s6;
	s7 =	simm.s32 @p2 $0x1082  }
0x22: {  	[simem:s7], [sflag:s8] =	dma.local @!p0 [hbm:s6], $0xF7A  }
0x23: {  	s9 =	sor.u32 $0xD0000000, s2;
	s6 =	simm.s32 $0x108;
	_ =	swait.ge @!p0 [sflag:s8], $0x0  }
0x24: {  	s3 =	sadd.s32 $0x88, s3;
	s6 =	simm.s32 @!p1 $0x1082;
	[sflag:s4] =	ssyncset.s32 $0xFFFFF086  }
0x25: {  	[simem:s6], [sflag:s4] =	dma.local [hbm:s3], $0xF7A  }
0x26: {  	[smem:$0x3F9B] =	sst s1;
	(tag) =	ssettag s2;
	_ =	strace s9  }
0x27: {  	s1 =	sld [smem:$0x3FAB]  }
0x28: {  	s2 =	sld [smem:$0x3FAC]  }
0x29: {  	s4 =	sld [smem:$0x3FAE]  }
0x2a: {  	p0 =	seq.s32 s5, $0x0;
	s5 =	sld [smem:$0x3FAF]  }
0x2b: {  	s6 =	sld [smem:$0x3FB0]  }
0x2c: {  	s7 =	sld [smem:$0x3FB1]  }
0x2d: {  	s3 =	simm.s32 $0x108;
	s8 =	sld [smem:$0x3FB2]  }
0x2e: {  	s3 =	simm.s32 @!p0 $0x1082;
	s9 =	sld [smem:$0x3FB3]  }
0x2f: {  	lr =	sadd.s32 s0, s3;
	s0 =	sld [smem:$0x3FAA]  }
0x30: {  	s3 =	sld [smem:$0x3FAD]  }
0x31: {  	[smem:$0x3FB6] =	sst s10  }
0x32: {  	s10 =	sld [smem:$0x3FB4];
	_ =	sdelay $0x3  }
0x33: {  	p0 =	seq.s32 s10, $0x1;
	s10 =	sld [smem:$0x3FB6];
	_ =	sdelay $0x3  }
0x34: {  	[smem:$0x3FB6] =	sst s10  }
0x35: {  	s10 =	sld [smem:$0x3FB5];
	_ =	sdelay $0x3  }
0x36: {  	p1 =	seq.s32 s10, $0x1;
	s10 =	sld [smem:$0x3FB6];
	_ =	sdelay $0x3  }
0x37: {  	[smem:$0x3FB6] =	sst s10  }
0x38: {  	s10 =	sld [smem:$0x3FB7]  }
0x39: {  	_ = 	snop;
	(pc) =	sbr.ind lr, $3  }
0x3a: {  	_ = 	snop  }
0x3b: {  	_ = 	snop  }
0x3c: {  	p2 =	seq.s32 s10, $0x1;
	s10 =	sld [smem:$0x3FB6]  }
0x3d: {  	_ =	shalt  }
0x3e: {  	_ =	shalt  }
0x3f: {  	_ =	shalt  }
0x40: {  	_ =	shalt  }
0x41: {  	_ =	shalt  }
0x42: {  	_ =	shalt  }
0x43: {  	_ =	shalt  }
0x44: {  	_ =	shalt  }
0x45: {  	_ =	shalt  }
0x46: {  	_ =	shalt  }
0x47: {  	_ =	shalt  }
0x48: {  	_ =	shalt  }
0x49: {  	_ =	shalt  }
0x4a: {  	_ =	shalt  }
0x4b: {  	_ =	shalt  }
0x4c: {  	_ =	shalt  }
0x4d: {  	_ =	shalt  }
0x4e: {  	_ =	shalt  }
0x4f: {  	_ =	shalt  }
0x50: {  	_ =	shalt  }
0x51: {  	_ =	shalt  }
0x52: {  	_ =	shalt  }
0x53: {  	_ =	shalt  }
0x54: {  	_ =	shalt  }
0x55: {  	_ =	shalt  }
0x56: {  	_ =	shalt  }
0x57: {  	_ =	shalt  }
0x58: {  	_ =	shalt  }
0x59: {  	_ =	shalt  }
0x5a: {  	_ =	shalt  }
0x5b: {  	_ =	shalt  }
0x5c: {  	_ =	shalt  }
0x5d: {  	_ =	shalt  }
0x5e: {  	_ =	shalt  }
0x5f: {  	_ =	shalt  }
0x60: {  	_ =	shalt  }
0x61: {  	_ =	shalt  }
0x62: {  	_ =	shalt  }
0x63: {  	_ =	shalt  }
0x64: {  	_ =	shalt  }
0x65: {  	_ =	shalt  }
0x66: {  	_ =	shalt  }
0x67: {  	_ =	shalt  }
0x68: {  	_ =	shalt  }
0x69: {  	_ =	shalt  }
0x6a: {  	_ =	shalt  }
0x6b: {  	_ =	shalt  }
0x6c: {  	_ =	shalt  }
0x6d: {  	_ =	shalt  }
0x6e: {  	_ =	shalt  }
0x6f: {  	_ =	shalt  }
0x70: {  	_ =	shalt  }
0x71: {  	_ =	shalt  }
0x72: {  	_ =	shalt  }
0x73: {  	_ =	shalt  }
0x74: {  	_ =	shalt  }
0x75: {  	_ =	shalt  }
0x76: {  	_ =	shalt  }
0x77: {  	_ =	shalt  }
0x78: {  	_ =	shalt  }
0x79: {  	_ =	shalt  }
0x7a: {  	_ =	shalt  }
0x7b: {  	_ =	shalt  }
0x7c: {  	_ =	shalt  }
0x7d: {  	_ =	shalt  }
0x7e: {  	_ =	shalt  }
0x7f: {  	_ =	shalt  }
0x80: {  	_ =	shalt  }
0x81: {  	_ =	shalt  }
0x82: {  	_ =	shalt  }
0x83: {  	_ =	shalt  }
0x84: {  	_ =	shalt  }
0x85: {  	_ =	shalt  }
0x86: {  	_ =	shalt  }
0x87: {  	_ =	shalt  }
.Lfunc_end0:
.L_simem_size_0:
called_computation_lowered:
.L_overlay_start_0:
0x88: {  	s2 =	sld [smem:$0x3FD9]  }
0x89: {  	s3 =	sld [smem:$0x3FFE];
	_ =	sdelay $0x1  }
0x8a: {  	s1 =	srdreg.scid  }
0x8b: {  	s0 =	sand.u32 $0x1, s1  }
0x8c: {  	s14 =	sshll.u32 s0, $0xA;
	s2 =	sadd.s32 s3, s2  }
0x8d: {  	s2 =	sadd.s32 s2, s14  }
0x8e: {  	[smem:$0x3FC2] =	sst s2  }
0x8f: {  	_ = 	snop  }
0x90: {  	s2 =	sld [smem:$0x3FD0];
	_ =	sdelay $0x2  }
0x91: {  	s4 =	simm.s32 $0xA;
	s5 =	simm.s32 $0x10;
	s15 =	sld [smem:$0x3FC9]  }
0x92: {  	[smem:s5], [sflag:s4] =	dma.local [hbm:s2], $0x1  }
0x93: {  	_ =	swait.eq [sflag:s4], $0x1  }
0x94: {  	[sflag:s4] =	ssyncset.done $0x0  }
0x95: {  	[sflag:s4] =	ssyncadd.s32 $0xFFFFFFFF  }
0x96: {  	s16 =	sld [smem:$0x10];
	(tm) =	ssettm $0x1  }
0x97: {  	s17 =	sld [smem:$0x3FFB];
	_ =	sdelay $0x3  }
0x98: {  	_ =	strace s17  }
0x99: {  	s4 =	sld [smem:$0x3FFC];
	_ =	sdelay $0x3  }
0x9a: {  	_ =	strace s4  }
0x9b: {  	s4 =	sld [smem:$0x3FFD];
	_ =	sdelay $0x3  }
0x9c: {  	_ =	strace s4  }
0x9d: {  	_ =	strace $0x8FFFFFFF  }
0x9e: {  	s18 =	sld [smem:$0x3FDB];
	_ =	sdelay $0x1  }
0x9f: {  	s19 =	simm.s32 $_scs_section_size  }
0xa0: {  	s6 =	simm.s32 $_size__tile_overlayer_lowered;
	s7 =	simm.s32 $_tile_overlayer_lowered  }
0xa1: {  	s22 =	simm.s32 $0x1BFF;
	s21 =	sshll.u32 s7, $0x1;
	s4 =	sadd.s32 s19, s18  }
0xa2: {  	s8 =	simm.s32 $0x0;
	s20 =	sshll.u32 s6, $0x1;
	s6 =	sadd.s32 s21, s4  }
0xa3: {  	[timem:s8], [sflag:s22] =	dma.local [hbm:s6], s20  }
0xa4: {  	_ =	swait.ge [sflag:s22], s20  }
0xa5: {  	s5 =	ssub.s32 $0x0, s20;
	[sflag:s22] =	ssyncset.done $0x0  }
0xa6: {  	[sflag:s22] =	ssyncadd.s32 s5;
	_ =	sdelay $0x1  }
0xa7: {  	s23 =	simm.s32 $0x1B8B  }
0xa8: {  	_ =	swait.ge [sflag:s23], $0x1  }
0xa9: {  	[sflag:s23] =	ssyncset.done $0x0  }
0xaa: {  	s25 =	simm.s32 $0x1B8E;
	s24 =	sld [smem:$0x3FFE];
	[sflag:s23] =	ssyncadd.s32 $0xFFFFFFFF  }
0xab: {  	s26 =	simm.s32 $execute0_lowered;
	[smem:$0x3FD2] =	sst s25  }
0xac: {  	s6 =	sshll.u32 s26, $0x1;
	_ =	strace $0x80000046;
	[dreg:$0x1] =	wrdreg $0xFFFFFFFF  }
0xad: {  	s28 =	simm.s32 $_size_execute0_lowered;
	s4 =	sadd.s32 s4, s6;
	[dreg:$0x0] =	wrdreg $0x0  }
0xae: {  	s6 =	sshll.u32 s28, $0x1;
	[dreg:$0x2] =	wrdreg s4  }
0xaf: {  	[dreg:$0x3] =	wrdreg s6  }
0xb0: {  	[dreg:$0x4] =	wrdreg $0xC0  }
0xb1: {  	_ =	task [dreg:s8], $0x5FFFF  }
0xb2: {  	[dreg:$0x1] =	wrdreg $0xFFFFFFFF  }
0xb3: {  	[dreg:$0x0] =	wrdreg $0x60  }
0xb4: {  	[dreg:$0x2] =	wrdreg s15  }
0xb5: {  	[dreg:$0x3] =	wrdreg s24  }
0xb6: {  	[dreg:$0x4] =	wrdreg s16  }
0xb7: {  	[dreg:$0x5] =	wrdreg $0x9  }
0xb8: {  	_ =	task.clear_ibuf [dreg:s8], $0x6FFFF;
	_ =	strace $0x90000046  }
0xb9: {  	s29 =	simm.s32 $0x9;
	_ =	strace $0x80000048  }
0xba: {  	_ =	swait.ge [sflag:s29], $0x1  }
0xbb: {  	[sflag:s29] =	ssyncadd.s32 $0xFFFFFFFF  }
0xbc: {  	_ =	strace $0x90000048  }
0xbd: {  	_ =	sfence  }
0xbe: {  	s30 =	sld [smem:$0x0];
	_ =	sdelay $0x2  }
0xbf: {  	s31 =	sshll.u32 s1, $0xD;
	s1 =	sshrl.u32 s1, $0x2  }
0xc0: {  	s3 =	sand.u32 $0x4000, s31;
	s1 =	sadd.s32 s1, s30  }
0xc1: {  	s0 =	sor.u32 s3, s0;
	s1 =	sshll.u32 s1, $0x11  }
0xc2: {  	s0 =	sor.u32 s1, s0  }
0xc3: {  	s0 =	sadd.s32 $0x8F2B, s0  }
0xc4: {  	[sflag:s0] =	ssyncadd.remote.s32 $0x1  }
0xc5: {  	_ =	sfence.sel $0xFFFF  }
0xc6: {  	[dreg:$0x0] =	wrdreg $0xFFFFFFFF;
	(pc) =	sbr.abs _section_cstart, $3  }
0xc7: {  	[dreg:$0x1] =	wrdreg $0xFFFFFFFF  }
0xc8: {  	_ =	task.clear_ibuf [dreg:s8], $0x2FFFF;
	_ =	strace $0x9FFFFFFF  }
0xc9: {  	(tm) =	ssettm $0x7FFFFFFF  }
tec
execute0_lowered:
.L_overlay_start_1:
0x0: {  	(tag) =	ssettag $0x1  }
0x1: {  	s1 =	rddreg [dreg:$0x0];
	s2 =	srdreg.scid  }
0x2: {  	s6 =	rddreg [dreg:$0x1];
	s0 =	stileid.u32  }
0x3: {  	s16 =	simm.s32 $0x2900;
	s17 =	simm.s32 $0x3100;
	s5 =	sand.u32 $0x1, s2  }
0x4: {  	s18 =	simm.s32 $0x3900;
	s3 =	sshll.u32 s0, $0x7;
	s4 =	sshll.u32 s5, $0x6  }
0x5: {  	s2 =	rddreg [dreg:$0x2];
	s7 =	sor.u32 s4, s3;
	s3 =	simm.s32 $0x0  }
0x6: {  	s19 =	simm.s32 $0x4100;
	s20 =	simm.s32 $0x4900;
	[smem:$0x7FF] =	sst s3  }
0x7: {  	s21 =	simm.s32 $0x5100;
	_ =	strace $0x80000047;
	[dreg:$0xa] =	wrdreg s16  }
0x8: {  	s22 =	simm.s32 $0x5900;
	s23 =	simm.s32 $0x6100;
	[dreg:$0xb] =	wrdreg s17  }
0x9: {  	s24 =	simm.s32 $0x6900;
	s25 =	simm.s32 $0x7100;
	[dreg:$0xc] =	wrdreg s18  }
0xa: {  	s28 =	simm.s32 $0xD900;
	s29 =	simm.s32 $0x5;
	[dreg:$0xd] =	wrdreg s19  }
0xb: {  	s30 =	simm.s32 $0x6;
	s31 =	simm.s32 $0x3;
	[dreg:$0xe] =	wrdreg s20  }
0xc: {  	s12 =	sadd.s32 $0x9600, s6;
	s13 =	sadd.s32 $0x1600, s6;
	[dreg:$0xf] =	wrdreg s21  }
0xd: {  	s5 =	ssub.s32 $0x2, s5;
	s4 =	sadd.s32 $0x9800, s6;
	[dreg:$0x10] =	wrdreg s22  }
0xe: {  	s8 =	sshrl.u32 s7, $0x3;
	s9 =	sor.u32 $0x20, s7;
	[dreg:$0x11] =	wrdreg s23  }
0xf: {  	s7 =	sshll.u32 s7, $0x4;
	s26 =	smul.u32 $0x300, s8;
	[dreg:$0x12] =	wrdreg s24  }
0x10: {  	s10 =	sshrl.u32 s9, $0x3;
	s0 =	sadd.s32 s12, s8;
	[dreg:$0x13] =	wrdreg s25  }
0x11: {  	s16 =	simm.s32 $0x2;
	s18 =	simm.s32 $0x9100;
	s19 =	simm.s32 $0x9900  }
0x12: {  	s20 =	simm.s32 $0xA100;
	s21 =	simm.s32 $0xA900;
	s22 =	simm.s32 $0xB100  }
0x13: {  	s23 =	simm.s32 $0xB900;
	s24 =	simm.s32 $0xC100;
	s25 =	simm.s32 $0xC900  }
0x14: {  	s11 =	smul.u32 $0x300, s10;
	[dreg:$0x6] =	wrdreg s0;
	s8 =	sadd.s32 s12, s10  }
0x15: {  	s10 =	sadd.s32 s13, s7;
	s12 =	sshrl.u32 s5, $0x1;
	[dreg:$0x7] =	wrdreg s8  }
0x16: {  	s14 =	sadd.s32 s1, s26;
	[dreg:$0x8] =	wrdreg s10;
	s15 =	ssub.s32 s5, s12  }
0x17: {  	s5 =	sadd.s32 $0x9900, s6;
	s6 =	sadd.s32 $0x9A00, s6;
	s8 =	simm.s32 $0x2100  }
0x18: {  	s10 =	simm.s32 $0x2000;
	s12 =	simm.s32 $0x2080;
	s26 =	simm.s32 $0x7900  }
0x19: {  	[dreg:$0x4] =	wrdreg s14;
	s1 =	sadd.s32 s1, s11;
	s11 =	sshll.u32 s9, $0x4  }
0x1a: {  	s7 =	smax.u32 s15, $0x1;
	s9 =	simm.s32 $0x8100;
	[dreg:$0x14] =	wrdreg s26  }
0x1b: {  	v2 =	vlaneseq.u32;
	s15 =	simm.s32 $0x1;
	s26 =	simm.s32 $0xD100;
	[dreg:$0x5] =	wrdreg s1  }
0x1c: {  	vm0 =	vmmov $0xffff;
	v1 =	vshrl.u32 v2, $0x3;
	s14 =	sadd.s32 s13, s11;
	s11 =	simm.s32 $0x7;
	s13 =	simm.s32 $0x1000  }
0x1d: {  	v0 =	vand.u32 $0x7, v2;
	v2 =	vor.u32 $0x8, v2;
	v1 =	vmul.u32 $0x8, v1;
	s1 =	simm.s32 $0x4;
	[dreg:$0x9] =	wrdreg s14;
	s14 =	simm.s32 $0x20  }
.LBB2_1:
0x1e: {  	s0 =	rddreg [dreg:$0x4]  }
0x1f: {  	[tilespmem:s8], [sflag:$0x1] =	stream.linear.gather [hbm4b:s0+s3], $0x6000, $0x38;
	[tilespmem:$0xE100] =	vst v63  }
0x20: {  	s17 =	rddreg [dreg:$0x5]  }
0x21: {  	[tilespmem:s9], [sflag:$0x2] =	stream.linear.gather [hbm4b:s17+s3], $0x6000, $0x38;
	[tilespmem:$0xE100] =	vst v63  }
0x22: {  	s0 =	rddreg [dreg:$0x6]  }
0x23: {  	[tilespmem:s10], [sflag:$0x7] =	stream.linear.gather [hbm4b:s0+s3], $0x20, $0x38;
	[tilespmem:$0xE100] =	vst v63  }
0x24: {  	_ =	swait.ge [sflag:s11], $0x20  }
0x25: {  	[sflag:s11] =	ssyncset.done $0x0  }
0x26: {  	s17 =	rddreg [dreg:$0x7];
	[sflag:s11] =	ssyncadd.s32 $0xFFFFFFE0  }
0x27: {  	[tilespmem:s12], [sflag:$0x7] =	stream.linear.gather [hbm4b:s17+s3], $0x20, $0x38;
	[tilespmem:$0xE100] =	vst v63  }
0x28: {  	_ =	swait.ge [sflag:s11], $0x20  }
0x29: {  	[sflag:s11] =	ssyncset.done $0x0  }
0x2a: {  	s17 =	rddreg [dreg:$0x8];
	[sflag:s11] =	ssyncadd.s32 $0xFFFFFFE0  }
0x2b: {  	[tilespmem:s3], [sflag:$0x7] =	stream.linear.gather [hbm4b:s17+s3], $0x1000, $0x38;
	[tilespmem:$0xE100] =	vst v63  }
0x2c: {  	_ =	swait.ge [sflag:s11], $0x1000  }
0x2d: {  	[sflag:s11] =	ssyncset.done $0x0  }
0x2e: {  	s17 =	rddreg [dreg:$0x9];
	[sflag:s11] =	ssyncadd.s32 $0xFFFFF000  }
0x2f: {  	[tilespmem:s13], [sflag:$0x7] =	stream.linear.gather [hbm4b:s17+s3], $0x1000, $0x38;
	[tilespmem:$0xE100] =	vst v63  }
0x30: {  	_ =	swait.ge [sflag:s11], $0x1000  }
0x31: {  	[sflag:s11] =	ssyncset.done $0x0  }
0x32: {  	[sflag:s11] =	ssyncadd.s32 $0xFFFFF000  }
0x33: {  	[hbm4b:s2+s14] =	stream.indirect.scatter [tilespmem:s3], [sflag:$0x5], $0x80, s10, s14, $0xb8;
	[tilespmem:$0xE100] =	vst v63  }
0x34: {  	_ = 	snop  }
0x35: {  	[hbm4b:s2+s14] =	stream.indirect.scatter [tilespmem:s13], [sflag:$0x6], $0x80, s12, s14, $0xb8;
	[tilespmem:$0xE100] =	vst v63  }
0x36: {  	_ =	swait.ge [sflag:s15], $0x6000  }
0x37: {  	[sflag:s15] =	ssyncset.done $0x0  }
0x38: {  	[sflag:s15] =	ssyncadd.s32 $0xFFFFA000  }
0x39: {  	v3 =	vld [tilespmem:$0x2000];
	_ =	sdelay $0x4  }
0x3a: {  	v4 =	vshrl.u32 v3, $0x3  }
0x3b: {  	v4 =	vmul.u32 $0x30, v4  }
0x3c: {  	v3 =	vand.u32 $0x7, v3  }
0x3d: {  	v3 =	vor.u32 v3, v4  }
0x3e: {  	v4 =	vperm.xlane v3, v0;
	_ =	sdelay $0x1  }
0x3f: {  	v4 =	vadd.s32 v1, v4;
	_ =	sdelay $0x3  }
0x40: {  	v3 =	vperm.xlane v3, v2  }
0x41: {  	[hbm4b:s4+s3] =	stream.indirect_vreg.scatter [tilespmem:s8], [sflag:$0x3], $0x80, v4, vm0, $0xb8;
	[tilespmem:$0xE100] =	vst v63  }
0x42: {  	s0 =	rddreg [dreg:$0xa];
	v3 =	vadd.s32 v1, v3  }
0x43: {  	[hbm4b:s5+s3] =	stream.indirect_vreg.scatter [tilespmem:s0], [sflag:$0x3], $0x80, v4, vm0, $0xb8;
	[tilespmem:$0xE100] =	vst v63  }
0x44: {  	s17 =	rddreg [dreg:$0xb]  }
0x45: {  	[hbm4b:s6+s3] =	stream.indirect_vreg.scatter [tilespmem:s17], [sflag:$0x3], $0x80, v4, vm0, $0xb8;
	[tilespmem:$0xE100] =	vst v63  }
0x46: {  	s0 =	rddreg [dreg:$0xc]  }
0x47: {  	[hbm4b:s4+s3] =	stream.indirect_vreg.scatter [tilespmem:s0], [sflag:$0x3], $0x80, v3, vm0, $0xb8;
	[tilespmem:$0xE100] =	vst v63  }
0x48: {  	s17 =	rddreg [dreg:$0xd]  }
0x49: {  	[hbm4b:s5+s3] =	stream.indirect_vreg.scatter [tilespmem:s17], [sflag:$0x3], $0x80, v3, vm0, $0xb8;
	[tilespmem:$0xE100] =	vst v63  }
0x4a: {  	s0 =	rddreg [dreg:$0xe]  }
0x4b: {  	[hbm4b:s6+s3] =	stream.indirect_vreg.scatter [tilespmem:s0], [sflag:$0x3], $0x80, v3, vm0, $0xb8;
	[tilespmem:$0xE100] =	vst v63  }
0x4c: {  	v3 =	vld [tilespmem:$0x2010];
	_ =	sdelay $0x4  }
0x4d: {  	v61 =	vshrl.u32 v3, $0x3  }
0x4e: {  	v4 =	vmul.u32 $0x30, v61  }
0x4f: {  	v3 =	vand.u32 $0x7, v3  }
0x50: {  	v3 =	vor.u32 v3, v4  }
0x51: {  	v4 =	vperm.xlane v3, v0;
	_ =	sdelay $0x1  }
0x52: {  	v4 =	vadd.s32 v1, v4;
	_ =	sdelay $0x3  }
0x53: {  	s0 =	rddreg [dreg:$0xf];
	v3 =	vperm.xlane v3, v2  }
0x54: {  	[hbm4b:s4+s3] =	stream.indirect_vreg.scatter [tilespmem:s0], [sflag:$0x3], $0x80, v4, vm0, $0xb8;
	[tilespmem:$0xE100] =	vst v63  }
0x55: {  	s17 =	rddreg [dreg:$0x10];
	v3 =	vadd.s32 v1, v3  }
0x56: {  	[hbm4b:s5+s3] =	stream.indirect_vreg.scatter [tilespmem:s17], [sflag:$0x3], $0x80, v4, vm0, $0xb8;
	[tilespmem:$0xE100] =	vst v63  }
0x57: {  	s0 =	rddreg [dreg:$0x11]  }
0x58: {  	[hbm4b:s6+s3] =	stream.indirect_vreg.scatter [tilespmem:s0], [sflag:$0x3], $0x80, v4, vm0, $0xb8;
	[tilespmem:$0xE100] =	vst v63  }
0x59: {  	s17 =	rddreg [dreg:$0x12]  }
0x5a: {  	[hbm4b:s4+s3] =	stream.indirect_vreg.scatter [tilespmem:s17], [sflag:$0x3], $0x80, v3, vm0, $0xb8;
	[tilespmem:$0xE100] =	vst v63  }
0x5b: {  	s0 =	rddreg [dreg:$0x13]  }
0x5c: {  	[hbm4b:s5+s3] =	stream.indirect_vreg.scatter [tilespmem:s0], [sflag:$0x3], $0x80, v3, vm0, $0xb8;
	[tilespmem:$0xE100] =	vst v63  }
0x5d: {  	s17 =	rddreg [dreg:$0x14]  }
0x5e: {  	[hbm4b:s6+s3] =	stream.indirect_vreg.scatter [tilespmem:s17], [sflag:$0x3], $0x80, v3, vm0, $0xb8;
	[tilespmem:$0xE100] =	vst v63  }
0x5f: {  	_ =	swait.ge [sflag:s16], $0x6000  }
0x60: {  	[sflag:s16] =	ssyncset.done $0x0  }
0x61: {  	[sflag:s16] =	ssyncadd.s32 $0xFFFFA000  }
0x62: {  	v3 =	vld [tilespmem:$0x2080];
	_ =	sdelay $0x4  }
0x63: {  	v62 =	vshrl.u32 v3, $0x3  }
0x64: {  	v4 =	vmul.u32 $0x30, v62  }
0x65: {  	v3 =	vand.u32 $0x7, v3  }
0x66: {  	v3 =	vor.u32 v3, v4  }
0x67: {  	v4 =	vperm.xlane v3, v0;
	_ =	sdelay $0x1  }
0x68: {  	v4 =	vadd.s32 v1, v4;
	_ =	sdelay $0x3  }
0x69: {  	v3 =	vperm.xlane v3, v2  }
0x6a: {  	[hbm4b:s4+s3] =	stream.indirect_vreg.scatter [tilespmem:s9], [sflag:$0x4], $0x80, v4, vm0, $0xb8;
	[tilespmem:$0xE100] =	vst v63  }
0x6b: {  	s17 =	simm.s32 $0x8900;
	v3 =	vadd.s32 v1, v3  }
0x6c: {  	[hbm4b:s5+s3] =	stream.indirect_vreg.scatter [tilespmem:s17], [sflag:$0x4], $0x80, v4, vm0, $0xb8;
	[tilespmem:$0xE100] =	vst v63  }
0x6d: {  	_ = 	snop  }
0x6e: {  	[hbm4b:s6+s3] =	stream.indirect_vreg.scatter [tilespmem:s18], [sflag:$0x4], $0x80, v4, vm0, $0xb8;
	[tilespmem:$0xE100] =	vst v63  }
0x6f: {  	_ = 	snop  }
0x70: {  	[hbm4b:s4+s3] =	stream.indirect_vreg.scatter [tilespmem:s19], [sflag:$0x4], $0x80, v3, vm0, $0xb8;
	[tilespmem:$0xE100] =	vst v63  }
0x71: {  	_ = 	snop  }
0x72: {  	[hbm4b:s5+s3] =	stream.indirect_vreg.scatter [tilespmem:s20], [sflag:$0x4], $0x80, v3, vm0, $0xb8;
	[tilespmem:$0xE100] =	vst v63  }
0x73: {  	_ = 	snop  }
0x74: {  	[hbm4b:s6+s3] =	stream.indirect_vreg.scatter [tilespmem:s21], [sflag:$0x4], $0x80, v3, vm0, $0xb8;
	[tilespmem:$0xE100] =	vst v63  }
0x75: {  	v3 =	vld [tilespmem:$0x2090];
	_ =	sdelay $0x4  }
0x76: {  	v63 =	vshrl.u32 v3, $0x3  }
0x77: {  	v4 =	vmul.u32 $0x30, v63  }
0x78: {  	v3 =	vand.u32 $0x7, v3  }
0x79: {  	v3 =	vor.u32 v3, v4  }
0x7a: {  	v4 =	vperm.xlane v3, v0;
	_ =	sdelay $0x1  }
0x7b: {  	v4 =	vadd.s32 v1, v4;
	_ =	sdelay $0x3  }
0x7c: {  	v3 =	vperm.xlane v3, v2  }
0x7d: {  	[hbm4b:s4+s3] =	stream.indirect_vreg.scatter [tilespmem:s22], [sflag:$0x4], $0x80, v4, vm0, $0xb8;
	[tilespmem:$0xE100] =	vst v63  }
0x7e: {  	v3 =	vadd.s32 v1, v3  }
0x7f: {  	[hbm4b:s5+s3] =	stream.indirect_vreg.scatter [tilespmem:s23], [sflag:$0x4], $0x80, v4, vm0, $0xb8;
	[tilespmem:$0xE100] =	vst v63  }
0x80: {  	_ = 	snop  }
0x81: {  	[hbm4b:s6+s3] =	stream.indirect_vreg.scatter [tilespmem:s24], [sflag:$0x4], $0x80, v4, vm0, $0xb8;
	[tilespmem:$0xE100] =	vst v63  }
0x82: {  	_ = 	snop  }
0x83: {  	[hbm4b:s4+s3] =	stream.indirect_vreg.scatter [tilespmem:s25], [sflag:$0x4], $0x80, v3, vm0, $0xb8;
	[tilespmem:$0xE100] =	vst v63  }
0x84: {  	_ = 	snop  }
0x85: {  	[hbm4b:s5+s3] =	stream.indirect_vreg.scatter [tilespmem:s26], [sflag:$0x4], $0x80, v3, vm0, $0xb8;
	[tilespmem:$0xE100] =	vst v63  }
0x86: {  	_ = 	snop  }
0x87: {  	[hbm4b:s6+s3] =	stream.indirect_vreg.scatter [tilespmem:s28], [sflag:$0x4], $0x80, v3, vm0, $0xb8;
	[tilespmem:$0xE100] =	vst v63  }
0x88: {  	_ =	swait.ge [sflag:s29], $0x1000  }
0x89: {  	[sflag:s29] =	ssyncset.done $0x0  }
0x8a: {  	[sflag:s29] =	ssyncadd.s32 $0xFFFFF000  }
0x8b: {  	_ =	swait.ge [sflag:s30], $0x1000  }
0x8c: {  	[sflag:s30] =	ssyncset.done $0x0  }
0x8d: {  	[sflag:s30] =	ssyncadd.s32 $0xFFFFF000  }
0x8e: {  	p0 =	sne.s32 s7, $0x1;
	_ =	swait.ge [sflag:s31], $0x6000  }
.Ltmp0:
0x8f: {  	[sflag:s31] =	ssyncset.done $0x0;
	(pc) =	sbr.rel @p0 .LBB2_1-.Ltmp0, $4  }
0x90: {  	[sflag:s31] =	ssyncadd.s32 $0xFFFFA000  }
0x91: {  	_ =	swait.ge [sflag:s1], $0x6000  }
0x92: {  	[sflag:s1] =	ssyncset.done $0x0  }
0x93: {  	s7 =	sadd.s32 $0xFFFFFFFF, s7;
	[sflag:s1] =	ssyncadd.s32 $0xFFFFA000  }
0x94: {  	_ =	sfence.sel $0x180000  }
0x95: {  	[bflag:$0x0] =	sbarrier.arrive $0xFFFF  }
0x96: {  	_ =	strace $0x90000047  }
0x97: {  	s0 =	stileid.u32;
	[bflag:$0x2] =	sbarrier.arrive $0xFFFF  }
0x98: {  	p0 =	sne.s32 s0, $0x0;
	s0 =	rddreg [dreg:$0x3]  }
0x99: {  	s0 =	sadd.s32 @!p0 $0x100000, s0  }
0x9a: {  	[sflag:s0] =	ssyncadd.tile.s32 @!p0 $0x1;
	_ =	shalt  }
.Lfunc_end2:
_tile_overlayer_lowered:
.L_overlay_start_2:
0x9b: {  	(tag) =	ssettag $0x2  }
0x9c: {  	s0 =	rddreg [dreg:$0x0];
	s2 =	stileid.u32  }
0x9d: {  	s1 =	rddreg [dreg:$0x1];
	p0 =	sne.s32 s2, $0x0  }
0x9e: {  	s3 =	rddreg [dreg:$0x2];
	[bflag:$0x3] =	sbarrier.arrive $0xFFFF;
	s2 =	simm.s32 @!p0 $0x1C07  }
0x9f: {  	[timem:s3], [sflag:s2] =	dma.local @!p0 [hbm:s0], s1  }
0xa0: {  	s0 =	simm.s32 @!p0 $0x7  }
0xa1: {  	_ =	swait.ge @!p0 [sflag:s0], s1  }
0xa2: {  	s1 =	ssub.s32 @!p0 $0x0, s1;
	[sflag:s0] =	ssyncset.done @!p0 $0x0  }
0xa3: {  	[sflag:s0] =	ssyncadd.s32 @!p0 s1  }
0xa4: {  	[bflag:$0x3] =	sbarrier.arrive $0xFFFF  }
0xa5: {  	_ =	shalt  }

// kernel: kernel.9.cloned.1.call-start
scs
__scs_entry_jumppad:
0x0: {  	(pc) =	sbr.rel $0x88, $3  }
0x1: {  	(tag) =	ssettag $0x0;
	lr =	simm.s32 $0x1  }
0x2: {  	[smem:$0x3F9B] =	sst lr;
	_ =	strace $0xD0000000  }
0x3: {  	_ = 	snop  }
0x4: {  	_ = 	snop  }
0x5: {  	_ = 	snop  }
0x6: {  	_ = 	snop  }
0x7: {  	_ = 	snop  }
__scs_overlays_trampoline_lowered:
0x8: {  	[smem:$0x3FAA] =	sst s0  }
0x9: {  	[smem:$0x3FAB] =	sst s1  }
0xa: {  	[smem:$0x3FAC] =	sst s2  }
0xb: {  	[smem:$0x3FAD] =	sst s3  }
0xc: {  	[smem:$0x3FAE] =	sst s4  }
0xd: {  	[smem:$0x3FAF] =	sst s5  }
0xe: {  	[smem:$0x3FB0] =	sst s6  }
0xf: {  	[smem:$0x3FB1] =	sst s7  }
0x10: {  	[smem:$0x3FB2] =	sst s8  }
0x11: {  	[smem:$0x3FB3] =	sst s9;
	s0 =	simm.s32 @!p0 $0x0  }
0x12: {  	s1 =	sld [smem:$0x3F99];
	s0 =	simm.s32 @p0 $0x1  }
0x13: {  	[smem:$0x3FB4] =	sst s0;
	s0 =	simm.s32 @!p1 $0x0  }
0x14: {  	s2 =	sld [smem:$0x3F98];
	s0 =	simm.s32 @p1 $0x1  }
0x15: {  	[smem:$0x3FB5] =	sst s0;
	s0 =	simm.s32 @!p2 $0x0  }
0x16: {  	s3 =	sld [smem:$0x3FDB];
	s0 =	simm.s32 @p2 $0x1  }
0x17: {  	s4 =	simm.s32 $0x1BF5;
	[smem:$0x3FB7] =	sst s0  }
0x18: {  	s0 =	sld [smem:$0x3F9A];
	_ =	swait.ge [sflag:s4], $0x0  }
0x19: {  	s7 =	sld [smem:$0x3F9B]  }
0x1a: {  	s8 =	sadd.s32 $0xFFFFE003, lr  }
0x1b: {  	s9 =	sadd.s32 $0xFFFFFEF7, lr;
	s5 =	simm.s32 $0xFFFFFFFF;
	p2 =	slt.u32 s8, $0xFFFFF086  }
0x1c: {  	p1 =	slt.u32 s9, $0xF7A;
	s5 =	simm.s32 @!p2 $0x0  }
0x1d: {  	s5 =	simm.s32 @p1 $0x1;
	p0 =	seq.s32 s7, s2  }
0x1e: {  	s7 =	smul.u32 @!p0 $0xF7A, s2;
	p2 =	seq.s32 @!p0 s5, $0x0  }
0x1f: {  	s9 =	smul.u32 $0xF7A, s1;
	s8 =	simm.s32 @!p0 $0x1BF5;
	p2 =	por !p2, p0  }
0x20: {  	[sflag:s8] =	ssyncset.s32 @!p0 $0xFFFFF086;
	s6 =	sadd.s32 @!p0 s3, s7;
	s7 =	simm.s32 @!p0 $0x108  }
0x21: {  	s3 =	sadd.s32 s3, s9;
	s6 =	sadd.s32 @!p0 $0x88, s6;
	s7 =	simm.s32 @p2 $0x1082  }
0x22: {  	[simem:s7], [sflag:s8] =	dma.local @!p0 [hbm:s6], $0xF7A  }
0x23: {  	s9 =	sor.u32 $0xD0000000, s2;
	s6 =	simm.s32 $0x108;
	_ =	swait.ge @!p0 [sflag:s8], $0x0  }
0x24: {  	s3 =	sadd.s32 $0x88, s3;
	s6 =	simm.s32 @!p1 $0x1082;
	[sflag:s4] =	ssyncset.s32 $0xFFFFF086  }
0x25: {  	[simem:s6], [sflag:s4] =	dma.local [hbm:s3], $0xF7A  }
0x26: {  	[smem:$0x3F9B] =	sst s1;
	(tag) =	ssettag s2;
	_ =	strace s9  }
0x27: {  	s1 =	sld [smem:$0x3FAB]  }
0x28: {  	s2 =	sld [smem:$0x3FAC]  }
0x29: {  	s4 =	sld [smem:$0x3FAE]  }
0x2a: {  	p0 =	seq.s32 s5, $0x0;
	s5 =	sld [smem:$0x3FAF]  }
0x2b: {  	s6 =	sld [smem:$0x3FB0]  }
0x2c: {  	s7 =	sld [smem:$0x3FB1]  }
0x2d: {  	s3 =	simm.s32 $0x108;
	s8 =	sld [smem:$0x3FB2]  }
0x2e: {  	s3 =	simm.s32 @!p0 $0x1082;
	s9 =	sld [smem:$0x3FB3]  }
0x2f: {  	lr =	sadd.s32 s0, s3;
	s0 =	sld [smem:$0x3FAA]  }
0x30: {  	s3 =	sld [smem:$0x3FAD]  }
0x31: {  	[smem:$0x3FB6] =	sst s10  }
0x32: {  	s10 =	sld [smem:$0x3FB4];
	_ =	sdelay $0x3  }
0x33: {  	p0 =	seq.s32 s10, $0x1;
	s10 =	sld [smem:$0x3FB6];
	_ =	sdelay $0x3  }
0x34: {  	[smem:$0x3FB6] =	sst s10  }
0x35: {  	s10 =	sld [smem:$0x3FB5];
	_ =	sdelay $0x3  }
0x36: {  	p1 =	seq.s32 s10, $0x1;
	s10 =	sld [smem:$0x3FB6];
	_ =	sdelay $0x3  }
0x37: {  	[smem:$0x3FB6] =	sst s10  }
0x38: {  	s10 =	sld [smem:$0x3FB7]  }
0x39: {  	_ = 	snop;
	(pc) =	sbr.ind lr, $3  }
0x3a: {  	_ = 	snop  }
0x3b: {  	_ = 	snop  }
0x3c: {  	p2 =	seq.s32 s10, $0x1;
	s10 =	sld [smem:$0x3FB6]  }
0x3d: {  	_ =	shalt  }
0x3e: {  	_ =	shalt  }
0x3f: {  	_ =	shalt  }
0x40: {  	_ =	shalt  }
0x41: {  	_ =	shalt  }
0x42: {  	_ =	shalt  }
0x43: {  	_ =	shalt  }
0x44: {  	_ =	shalt  }
0x45: {  	_ =	shalt  }
0x46: {  	_ =	shalt  }
0x47: {  	_ =	shalt  }
0x48: {  	_ =	shalt  }
0x49: {  	_ =	shalt  }
0x4a: {  	_ =	shalt  }
0x4b: {  	_ =	shalt  }
0x4c: {  	_ =	shalt  }
0x4d: {  	_ =	shalt  }
0x4e: {  	_ =	shalt  }
0x4f: {  	_ =	shalt  }
0x50: {  	_ =	shalt  }
0x51: {  	_ =	shalt  }
0x52: {  	_ =	shalt  }
0x53: {  	_ =	shalt  }
0x54: {  	_ =	shalt  }
0x55: {  	_ =	shalt  }
0x56: {  	_ =	shalt  }
0x57: {  	_ =	shalt  }
0x58: {  	_ =	shalt  }
0x59: {  	_ =	shalt  }
0x5a: {  	_ =	shalt  }
0x5b: {  	_ =	shalt  }
0x5c: {  	_ =	shalt  }
0x5d: {  	_ =	shalt  }
0x5e: {  	_ =	shalt  }
0x5f: {  	_ =	shalt  }
0x60: {  	_ =	shalt  }
0x61: {  	_ =	shalt  }
0x62: {  	_ =	shalt  }
0x63: {  	_ =	shalt  }
0x64: {  	_ =	shalt  }
0x65: {  	_ =	shalt  }
0x66: {  	_ =	shalt  }
0x67: {  	_ =	shalt  }
0x68: {  	_ =	shalt  }
0x69: {  	_ =	shalt  }
0x6a: {  	_ =	shalt  }
0x6b: {  	_ =	shalt  }
0x6c: {  	_ =	shalt  }
0x6d: {  	_ =	shalt  }
0x6e: {  	_ =	shalt  }
0x6f: {  	_ =	shalt  }
0x70: {  	_ =	shalt  }
0x71: {  	_ =	shalt  }
0x72: {  	_ =	shalt  }
0x73: {  	_ =	shalt  }
0x74: {  	_ =	shalt  }
0x75: {  	_ =	shalt  }
0x76: {  	_ =	shalt  }
0x77: {  	_ =	shalt  }
0x78: {  	_ =	shalt  }
0x79: {  	_ =	shalt  }
0x7a: {  	_ =	shalt  }
0x7b: {  	_ =	shalt  }
0x7c: {  	_ =	shalt  }
0x7d: {  	_ =	shalt  }
0x7e: {  	_ =	shalt  }
0x7f: {  	_ =	shalt  }
0x80: {  	_ =	shalt  }
0x81: {  	_ =	shalt  }
0x82: {  	_ =	shalt  }
0x83: {  	_ =	shalt  }
0x84: {  	_ =	shalt  }
0x85: {  	_ =	shalt  }
0x86: {  	_ =	shalt  }
0x87: {  	_ =	shalt  }
.Lfunc_end0:
.L_simem_size_0:
called_computation.1_lowered:
.L_overlay_start_0:
0x88: {  	s2 =	sld [smem:$0x3FD9]  }
0x89: {  	s3 =	sld [smem:$0x3FFE];
	_ =	sdelay $0x1  }
0x8a: {  	s1 =	srdreg.scid  }
0x8b: {  	s0 =	sand.u32 $0x1, s1  }
0x8c: {  	s14 =	sshll.u32 s0, $0xA;
	s2 =	sadd.s32 s3, s2  }
0x8d: {  	s2 =	sadd.s32 s2, s14  }
0x8e: {  	[smem:$0x3FC2] =	sst s2  }
0x8f: {  	_ = 	snop  }
0x90: {  	s2 =	sld [smem:$0x3FD0];
	_ =	sdelay $0x2  }
0x91: {  	s15 =	simm.s32 $0xA;
	s4 =	simm.s32 $0x10  }
0x92: {  	[smem:s4], [sflag:s15] =	dma.local [hbm:s2], $0x1  }
0x93: {  	_ =	swait.eq [sflag:s15], $0x1  }
0x94: {  	[sflag:s15] =	ssyncset.done $0x0  }
0x95: {  	[sflag:s15] =	ssyncadd.s32 $0xFFFFFFFF  }
0x96: {  	s16 =	sld [smem:$0x10];
	(tm) =	ssettm $0x1  }
0x97: {  	s17 =	sld [smem:$0x3FFB];
	_ =	sdelay $0x3  }
0x98: {  	_ =	strace s17  }
0x99: {  	s3 =	sld [smem:$0x3FFC];
	_ =	sdelay $0x3  }
0x9a: {  	_ =	strace s3  }
0x9b: {  	s3 =	sld [smem:$0x3FFD];
	_ =	sdelay $0x3  }
0x9c: {  	_ =	strace s3  }
0x9d: {  	_ =	strace $0x8FFFFFFF  }
0x9e: {  	s18 =	sld [smem:$0x3FDB];
	_ =	sdelay $0x1  }
0x9f: {  	s19 =	simm.s32 $_scs_section_size  }
0xa0: {  	s5 =	simm.s32 $_size__tile_overlayer_lowered;
	s6 =	simm.s32 $_tile_overlayer_lowered  }
0xa1: {  	s22 =	simm.s32 $0x1BFF;
	s21 =	sshll.u32 s6, $0x1;
	s3 =	sadd.s32 s19, s18  }
0xa2: {  	s7 =	simm.s32 $0x0;
	s20 =	sshll.u32 s5, $0x1;
	s5 =	sadd.s32 s21, s3  }
0xa3: {  	[timem:s7], [sflag:s22] =	dma.local [hbm:s5], s20  }
0xa4: {  	_ =	swait.ge [sflag:s22], s20  }
0xa5: {  	s4 =	ssub.s32 $0x0, s20;
	[sflag:s22] =	ssyncset.done $0x0  }
0xa6: {  	[sflag:s22] =	ssyncadd.s32 s4;
	_ =	sdelay $0x1  }
0xa7: {  	s23 =	simm.s32 $0x1B8B  }
0xa8: {  	_ =	swait.ge [sflag:s23], $0x1  }
0xa9: {  	[sflag:s23] =	ssyncset.done $0x0  }
0xaa: {  	s25 =	simm.s32 $0x1B8E;
	s24 =	sld [smem:$0x3FFE];
	[sflag:s23] =	ssyncadd.s32 $0xFFFFFFFF  }
0xab: {  	s26 =	simm.s32 $execute0_lowered;
	[smem:$0x3FD2] =	sst s25  }
0xac: {  	s5 =	sshll.u32 s26, $0x1;
	_ =	strace $0x80000049;
	[dreg:$0x1] =	wrdreg $0xFFFFFFFF  }
0xad: {  	s28 =	simm.s32 $_size_execute0_lowered;
	s3 =	sadd.s32 s3, s5;
	[dreg:$0x0] =	wrdreg $0x0  }
0xae: {  	s5 =	sshll.u32 s28, $0x1;
	[dreg:$0x2] =	wrdreg s3  }
0xaf: {  	[dreg:$0x3] =	wrdreg s5  }
0xb0: {  	[dreg:$0x4] =	wrdreg $0xC0  }
0xb1: {  	_ =	task [dreg:s7], $0x5FFFF  }
0xb2: {  	[dreg:$0x1] =	wrdreg $0xFFFFFFFF  }
0xb3: {  	[dreg:$0x0] =	wrdreg $0x60  }
0xb4: {  	[dreg:$0x2] =	wrdreg s24  }
0xb5: {  	[dreg:$0x3] =	wrdreg s16  }
0xb6: {  	[dreg:$0x4] =	wrdreg $0x9  }
0xb7: {  	_ =	task.clear_ibuf [dreg:s7], $0x5FFFF;
	_ =	strace $0x90000049  }
0xb8: {  	s29 =	simm.s32 $0x9;
	_ =	strace $0x8000004B  }
0xb9: {  	_ =	swait.ge [sflag:s29], $0x1  }
0xba: {  	[sflag:s29] =	ssyncadd.s32 $0xFFFFFFFF  }
0xbb: {  	_ =	strace $0x9000004B  }
0xbc: {  	_ =	sfence  }
0xbd: {  	s30 =	sld [smem:$0x0];
	_ =	sdelay $0x2  }
0xbe: {  	s31 =	sshll.u32 s1, $0xD;
	s1 =	sshrl.u32 s1, $0x2  }
0xbf: {  	s3 =	sand.u32 $0x4000, s31;
	s1 =	sadd.s32 s1, s30  }
0xc0: {  	s0 =	sor.u32 s3, s0;
	s1 =	sshll.u32 s1, $0x11  }
0xc1: {  	s0 =	sor.u32 s1, s0  }
0xc2: {  	s0 =	sadd.s32 $0x8F2B, s0  }
0xc3: {  	[sflag:s0] =	ssyncadd.remote.s32 $0x1  }
0xc4: {  	_ =	sfence.sel $0xFFFF  }
0xc5: {  	[dreg:$0x0] =	wrdreg $0xFFFFFFFF;
	(pc) =	sbr.abs _section_cstart, $3  }
0xc6: {  	[dreg:$0x1] =	wrdreg $0xFFFFFFFF  }
0xc7: {  	_ =	task.clear_ibuf [dreg:s7], $0x2FFFF;
	_ =	strace $0x9FFFFFFF  }
0xc8: {  	(tm) =	ssettm $0x7FFFFFFF  }
0xc9: {  	_ =	shalt  }
tec
execute0_lowered:
.L_overlay_start_1:
0x0: {  	(tag) =	ssettag $0x1  }
0x1: {  	s0 =	rddreg [dreg:$0x0]  }
0x2: {  	s4 =	rddreg [dreg:$0x1];
	s2 =	simm.s32 $0x0;
	s3 =	srdreg.scid  }
0x3: {  	s1 =	stileid.u32;
	s22 =	simm.s32 $0x80;
	s23 =	simm.s32 $0x900  }
0x4: {  	s24 =	simm.s32 $0x1100;
	s25 =	simm.s32 $0x1900;
	s26 =	simm.s32 $0x2100  }
0x5: {  	s10 =	simm.s32 $0x3100;
	s11 =	simm.s32 $0x3900;
	s12 =	simm.s32 $0x4100  }
0x6: {  	s13 =	simm.s32 $0x4900;
	s14 =	simm.s32 $0x5100;
	s15 =	simm.s32 $0x5900  }
0x7: {  	s16 =	simm.s32 $0x6100;
	s28 =	simm.s32 $0xB900;
	[smem:$0x7FF] =	sst s2  }
0x8: {  	s29 =	simm.s32 $0x1;
	_ =	strace $0x8000004A;
	[dreg:$0x7] =	wrdreg s22  }
0x9: {  	s30 =	simm.s32 $0x2;
	s31 =	simm.s32 $0x3;
	[dreg:$0x8] =	wrdreg s23  }
0xa: {  	s5 =	sand.u32 $0x1, s3;
	s3 =	sadd.s32 $0x9800, s0;
	[dreg:$0x9] =	wrdreg s24  }
0xb: {  	s6 =	sshll.u32 s1, $0x4;
	s8 =	sadd.s32 $0x9600, s0;
	[dreg:$0xa] =	wrdreg s25  }
0xc: {  	s7 =	sshll.u32 s5, $0x3;
	s5 =	ssub.s32 $0x2, s5;
	[dreg:$0xb] =	wrdreg s26  }
0xd: {  	s22 =	simm.s32 $0x9100;
	s23 =	simm.s32 $0x9900;
	s24 =	simm.s32 $0xA100  }
0xe: {  	s25 =	simm.s32 $0xA900;
	s26 =	simm.s32 $0xB100;
	s6 =	sor.u32 s7, s6  }
0xf: {  	s19 =	sshrl.u32 s5, $0x1;
	s7 =	sadd.s32 s8, s6;
	s9 =	sor.u32 $0x4, s6  }
0x10: {  	s6 =	smul.u32 $0x300, s6;
	s20 =	ssub.s32 s5, s19;
	s5 =	sadd.s32 $0x9A00, s0  }
0x11: {  	s19 =	simm.s32 $0x7900;
	[dreg:$0x3] =	wrdreg s7;
	s17 =	sadd.s32 s8, s9  }
0x12: {  	s18 =	smul.u32 $0x300, s9;
	s7 =	simm.s32 $0x5;
	s8 =	simm.s32 $0x100  }
0x13: {  	[dreg:$0x4] =	wrdreg s17;
	s6 =	sadd.s32 s4, s6;
	s17 =	simm.s32 $0x6900  }
0x14: {  	v2 =	vlaneseq.u32;
	[dreg:$0x5] =	wrdreg s6;
	s21 =	sadd.s32 s4, s18;
	s4 =	sadd.s32 $0x9900, s0  }
0x15: {  	vm0 =	vmmov $0xffff;
	v1 =	vshrl.u32 v2, $0x3;
	s6 =	smax.u32 s20, $0x1;
	s18 =	simm.s32 $0x7100;
	s20 =	simm.s32 $0x8100  }
0x16: {  	v0 =	vand.u32 $0x7, v2;
	v2 =	vor.u32 $0x8, v2;
	v1 =	vmul.u32 $0x8, v1;
	s0 =	simm.s32 $0x4;
	[dreg:$0x6] =	wrdreg s21;
	s21 =	simm.s32 $0x8900  }
.LBB2_1:
0x17: {  	s1 =	rddreg [dreg:$0x3]  }
0x18: {  	[tilespmem:s2], [sflag:$0x5] =	stream.linear.gather [hbm4b:s1+s2], $0x20, $0x38;
	[tilespmem:$0xC100] =	vst v63  }
0x19: {  	_ =	swait.ge [sflag:s7], $0x20  }
0x1a: {  	s1 =	rddreg [dreg:$0x4];
	[sflag:s7] =	ssyncset.done $0x0  }
0x1b: {  	s9 =	rddreg [dreg:$0x7];
	[sflag:s7] =	ssyncadd.s32 $0xFFFFFFE0  }
0x1c: {  	[tilespmem:s9], [sflag:$0x5] =	stream.linear.gather [hbm4b:s1+s2], $0x20, $0x38;
	[tilespmem:$0xC100] =	vst v63  }
0x1d: {  	_ =	swait.ge [sflag:s7], $0x20  }
0x1e: {  	[sflag:s7] =	ssyncset.done $0x0  }
0x1f: {  	[sflag:s7] =	ssyncadd.s32 $0xFFFFFFE0  }
0x20: {  	v3 =	vld [tilespmem:$0x0];
	_ =	sdelay $0x4  }
0x21: {  	v4 =	vshrl.u32 v3, $0x3  }
0x22: {  	v4 =	vmul.u32 $0x30, v4  }
0x23: {  	v3 =	vand.u32 $0x7, v3  }
0x24: {  	v3 =	vor.u32 v3, v4  }
0x25: {  	v4 =	vperm.xlane v3, v0;
	_ =	sdelay $0x1  }
0x26: {  	v4 =	vadd.s32 v1, v4;
	_ =	sdelay $0x3  }
0x27: {  	v3 =	vperm.xlane v3, v2  }
0x28: {  	[tilespmem:s8], [sflag:$0x1] =	stream.indirect_vreg.gather [hbm4b:s3+s2], $0x80, v4, vm0, $0xb8;
	[tilespmem:$0xC100] =	vst v63  }
0x29: {  	s1 =	rddreg [dreg:$0x8];
	v3 =	vadd.s32 v1, v3  }
0x2a: {  	[tilespmem:s1], [sflag:$0x1] =	stream.indirect_vreg.gather [hbm4b:s4+s2], $0x80, v4, vm0, $0xb8;
	[tilespmem:$0xC100] =	vst v63  }
0x2b: {  	s9 =	rddreg [dreg:$0x9]  }
0x2c: {  	[tilespmem:s9], [sflag:$0x1] =	stream.indirect_vreg.gather [hbm4b:s5+s2], $0x80, v4, vm0, $0xb8;
	[tilespmem:$0xC100] =	vst v63  }
0x2d: {  	s1 =	rddreg [dreg:$0xa]  }
0x2e: {  	[tilespmem:s1], [sflag:$0x1] =	stream.indirect_vreg.gather [hbm4b:s3+s2], $0x80, v3, vm0, $0xb8;
	[tilespmem:$0xC100] =	vst v63  }
0x2f: {  	s9 =	rddreg [dreg:$0xb]  }
0x30: {  	[tilespmem:s9], [sflag:$0x1] =	stream.indirect_vreg.gather [hbm4b:s4+s2], $0x80, v3, vm0, $0xb8;
	[tilespmem:$0xC100] =	vst v63  }
0x31: {  	s9 =	simm.s32 $0x2900  }
0x32: {  	[tilespmem:s9], [sflag:$0x1] =	stream.indirect_vreg.gather [hbm4b:s5+s2], $0x80, v3, vm0, $0xb8;
	[tilespmem:$0xC100] =	vst v63  }
0x33: {  	v3 =	vld [tilespmem:$0x10];
	_ =	sdelay $0x4  }
0x34: {  	v61 =	vshrl.u32 v3, $0x3  }
0x35: {  	v4 =	vmul.u32 $0x30, v61  }
0x36: {  	v3 =	vand.u32 $0x7, v3  }
0x37: {  	v3 =	vor.u32 v3, v4  }
0x38: {  	v4 =	vperm.xlane v3, v0;
	_ =	sdelay $0x1  }
0x39: {  	v4 =	vadd.s32 v1, v4;
	_ =	sdelay $0x3  }
0x3a: {  	v3 =	vperm.xlane v3, v2  }
0x3b: {  	[tilespmem:s10], [sflag:$0x1] =	stream.indirect_vreg.gather [hbm4b:s3+s2], $0x80, v4, vm0, $0xb8;
	[tilespmem:$0xC100] =	vst v63  }
0x3c: {  	v3 =	vadd.s32 v1, v3  }
0x3d: {  	[tilespmem:s11], [sflag:$0x1] =	stream.indirect_vreg.gather [hbm4b:s4+s2], $0x80, v4, vm0, $0xb8;
	[tilespmem:$0xC100] =	vst v63  }
0x3e: {  	_ = 	snop  }
0x3f: {  	[tilespmem:s12], [sflag:$0x1] =	stream.indirect_vreg.gather [hbm4b:s5+s2], $0x80, v4, vm0, $0xb8;
	[tilespmem:$0xC100] =	vst v63  }
0x40: {  	_ = 	snop  }
0x41: {  	[tilespmem:s13], [sflag:$0x1] =	stream.indirect_vreg.gather [hbm4b:s3+s2], $0x80, v3, vm0, $0xb8;
	[tilespmem:$0xC100] =	vst v63  }
0x42: {  	_ = 	snop  }
0x43: {  	[tilespmem:s14], [sflag:$0x1] =	stream.indirect_vreg.gather [hbm4b:s4+s2], $0x80, v3, vm0, $0xb8;
	[tilespmem:$0xC100] =	vst v63  }
0x44: {  	_ = 	snop  }
0x45: {  	[tilespmem:s15], [sflag:$0x1] =	stream.indirect_vreg.gather [hbm4b:s5+s2], $0x80, v3, vm0, $0xb8;
	[tilespmem:$0xC100] =	vst v63  }
0x46: {  	v3 =	vld [tilespmem:$0x80];
	_ =	sdelay $0x4  }
0x47: {  	v62 =	vshrl.u32 v3, $0x3  }
0x48: {  	v4 =	vmul.u32 $0x30, v62  }
0x49: {  	v3 =	vand.u32 $0x7, v3  }
0x4a: {  	v3 =	vor.u32 v3, v4  }
0x4b: {  	v4 =	vperm.xlane v3, v0;
	_ =	sdelay $0x1  }
0x4c: {  	v4 =	vadd.s32 v1, v4;
	_ =	sdelay $0x3  }
0x4d: {  	v3 =	vperm.xlane v3, v2  }
0x4e: {  	[tilespmem:s16], [sflag:$0x2] =	stream.indirect_vreg.gather [hbm4b:s3+s2], $0x80, v4, vm0, $0xb8;
	[tilespmem:$0xC100] =	vst v63  }
0x4f: {  	v3 =	vadd.s32 v1, v3  }
0x50: {  	[tilespmem:s17], [sflag:$0x2] =	stream.indirect_vreg.gather [hbm4b:s4+s2], $0x80, v4, vm0, $0xb8;
	[tilespmem:$0xC100] =	vst v63  }
0x51: {  	_ = 	snop  }
0x52: {  	[tilespmem:s18], [sflag:$0x2] =	stream.indirect_vreg.gather [hbm4b:s5+s2], $0x80, v4, vm0, $0xb8;
	[tilespmem:$0xC100] =	vst v63  }
0x53: {  	_ = 	snop  }
0x54: {  	[tilespmem:s19], [sflag:$0x2] =	stream.indirect_vreg.gather [hbm4b:s3+s2], $0x80, v3, vm0, $0xb8;
	[tilespmem:$0xC100] =	vst v63  }
0x55: {  	_ = 	snop  }
0x56: {  	[tilespmem:s20], [sflag:$0x2] =	stream.indirect_vreg.gather [hbm4b:s4+s2], $0x80, v3, vm0, $0xb8;
	[tilespmem:$0xC100] =	vst v63  }
0x57: {  	_ = 	snop  }
0x58: {  	[tilespmem:s21], [sflag:$0x2] =	stream.indirect_vreg.gather [hbm4b:s5+s2], $0x80, v3, vm0, $0xb8;
	[tilespmem:$0xC100] =	vst v63  }
0x59: {  	v3 =	vld [tilespmem:$0x90];
	_ =	sdelay $0x4  }
0x5a: {  	v63 =	vshrl.u32 v3, $0x3  }
0x5b: {  	v4 =	vmul.u32 $0x30, v63  }
0x5c: {  	v3 =	vand.u32 $0x7, v3  }
0x5d: {  	v3 =	vor.u32 v3, v4  }
0x5e: {  	v4 =	vperm.xlane v3, v0;
	_ =	sdelay $0x1  }
0x5f: {  	v4 =	vadd.s32 v1, v4;
	_ =	sdelay $0x3  }
0x60: {  	v3 =	vperm.xlane v3, v2  }
0x61: {  	[tilespmem:s22], [sflag:$0x2] =	stream.indirect_vreg.gather [hbm4b:s3+s2], $0x80, v4, vm0, $0xb8;
	[tilespmem:$0xC100] =	vst v63  }
0x62: {  	v3 =	vadd.s32 v1, v3  }
0x63: {  	[tilespmem:s23], [sflag:$0x2] =	stream.indirect_vreg.gather [hbm4b:s4+s2], $0x80, v4, vm0, $0xb8;
	[tilespmem:$0xC100] =	vst v63  }
0x64: {  	_ = 	snop  }
0x65: {  	[tilespmem:s24], [sflag:$0x2] =	stream.indirect_vreg.gather [hbm4b:s5+s2], $0x80, v4, vm0, $0xb8;
	[tilespmem:$0xC100] =	vst v63  }
0x66: {  	_ = 	snop  }
0x67: {  	[tilespmem:s25], [sflag:$0x2] =	stream.indirect_vreg.gather [hbm4b:s3+s2], $0x80, v3, vm0, $0xb8;
	[tilespmem:$0xC100] =	vst v63  }
0x68: {  	_ = 	snop  }
0x69: {  	[tilespmem:s26], [sflag:$0x2] =	stream.indirect_vreg.gather [hbm4b:s4+s2], $0x80, v3, vm0, $0xb8;
	[tilespmem:$0xC100] =	vst v63  }
0x6a: {  	_ = 	snop  }
0x6b: {  	[tilespmem:s28], [sflag:$0x2] =	stream.indirect_vreg.gather [hbm4b:s5+s2], $0x80, v3, vm0, $0xb8;
	[tilespmem:$0xC100] =	vst v63  }
0x6c: {  	_ =	swait.ge [sflag:s29], $0x6000  }
0x6d: {  	[sflag:s29] =	ssyncset.done $0x0  }
0x6e: {  	s9 =	rddreg [dreg:$0x5];
	[sflag:s29] =	ssyncadd.s32 $0xFFFFA000  }
0x6f: {  	[hbm4b:s9+s2] =	stream.linear.scatter [tilespmem:s8], [sflag:$0x3], $0x6000, $0x38;
	[tilespmem:$0xC100] =	vst v63  }
0x70: {  	_ =	swait.ge [sflag:s30], $0x6000  }
0x71: {  	[sflag:s30] =	ssyncset.done $0x0  }
0x72: {  	s9 =	rddreg [dreg:$0x6];
	[sflag:s30] =	ssyncadd.s32 $0xFFFFA000  }
0x73: {  	[hbm4b:s9+s2] =	stream.linear.scatter [tilespmem:s16], [sflag:$0x4], $0x6000, $0x38;
	[tilespmem:$0xC100] =	vst v63  }
0x74: {  	p0 =	sne.s32 s6, $0x1;
	_ =	swait.ge [sflag:s31], $0x6000  }
.Ltmp0:
0x75: {  	[sflag:s31] =	ssyncset.done $0x0;
	(pc) =	sbr.rel @p0 .LBB2_1-.Ltmp0, $4  }
0x76: {  	[sflag:s31] =	ssyncadd.s32 $0xFFFFA000  }
0x77: {  	_ =	swait.ge [sflag:s0], $0x6000  }
0x78: {  	[sflag:s0] =	ssyncset.done $0x0  }
0x79: {  	s6 =	sadd.s32 $0xFFFFFFFF, s6;
	[sflag:s0] =	ssyncadd.s32 $0xFFFFA000  }
0x7a: {  	_ =	sfence.sel $0x180000  }
0x7b: {  	[bflag:$0x0] =	sbarrier.arrive $0xFFFF  }
0x7c: {  	_ =	strace $0x9000004A  }
0x7d: {  	s0 =	stileid.u32;
	[bflag:$0x2] =	sbarrier.arrive $0xFFFF  }
0x7e: {  	p0 =	sne.s32 s0, $0x0;
	s0 =	rddreg [dreg:$0x2]  }
0x7f: {  	s0 =	sadd.s32 @!p0 $0x100000, s0  }
0x80: {  	[sflag:s0] =	ssyncadd.tile.s32 @!p0 $0x1;
	_ =	shalt  }
.Lfunc_end2:
_tile_overlayer_lowered:
.L_overlay_start_2:
0x81: {  	(tag) =	ssettag $0x2  }
0x82: {  	s0 =	rddreg [dreg:$0x0];
	s2 =	stileid.u32  }
0x83: {  	s1 =	rddreg [dreg:$0x1];
	p0 =	sne.s32 s2, $0x0  }
0x84: {  	s3 =	rddreg [dreg:$0x2];
	[bflag:$0x3] =	sbarrier.arrive $0xFFFF;
	s2 =	simm.s32 @!p0 $0x1C05  }
0x85: {  	[timem:s3], [sflag:s2] =	dma.local @!p0 [hbm:s0], s1  }
0x86: {  	s0 =	simm.s32 @!p0 $0x5  }
0x87: {  	_ =	swait.ge @!p0 [sflag:s0], s1  }
0x88: {  	s1 =	ssub.s32 @!p0 $0x0, s1;
	[sflag:s0] =	ssyncset.done @!p0 $0x0  }
0x89: {  	[sflag:s0] =	ssyncadd.s32 @!p0 s1  }
0x8a: {  	[bflag:$0x3] =	sbarrier.arrive $0xFFFF  }
0x8b: {  	_ =	shalt  }

</sc_bundles>
